<compile_context>
chip_gen: v7x
topology: tpu7x:2x2x1
jax: 0.10.2.dev20260603
libtpu: 0.0.44.dev20260713+nightly
codegen_flags: <defaults>
</compile_context>

<pallas_src>
import functools

import jax
import jax.numpy as jnp
from jax import lax
from jax.experimental import pallas as pl
from jax.experimental.pallas import tpu as pltpu
from jax.experimental.pallas import tpu_sc as plsc

R = 16
N = 4096
L = 16
NCHUNK = N // L


def _sort_row_body(pos_hbm, val_hbm, outv_hbm, outk_hbm,
                   keys_v, vals_v, hist_v, rank_v, occm_v, outk_v, outv_v,
                   sem_k, sem_v, sem_o):
  c = lax.axis_index("c")
  s = lax.axis_index("s")
  wid = s * 2 + c

  @pl.when(wid < R)
  def _():
    row = wid
    h_k = pltpu.make_async_copy(pos_hbm.at[row], keys_v, sem_k)
    h_k.start()
    h_v = pltpu.make_async_copy(val_hbm.at[row], vals_v, sem_v)
    h_v.start()

    cal = plsc.scan_count(lax.iota(jnp.int32, L))[0]

    @plsc.parallel_loop(0, N, step=L, unroll=16)
    def zero_body(i):
      hist_v[pl.ds(i, L)] = jnp.zeros((L,), jnp.int32)

    h_k.wait()

    U1 = 16

    @plsc.parallel_loop(0, N, step=L, unroll=U1)
    def scan_only_body(i):
      d = keys_v[pl.ds(i, L)]
      cnt, lastm = plsc.scan_count(d)
      occ = cnt - cal
      rank_v[pl.ds(i, L)] = occ
      occm_v[pl.ds(i, L)] = jnp.where(lastm, occ + 1, 0)

    def hist_body(i, carry):
      for u in range(U1):
        off = (i * U1 + u) * L
        d = keys_v[pl.ds(off, L)]
        om = occm_v[pl.ds(off, L)]
        prev = plsc.load_gather(hist_v, [d])
        rank_v[pl.ds(off, L)] = rank_v[pl.ds(off, L)] + prev
        plsc.addupdate_scatter(hist_v, [d], om, mask=om > 0)
      return carry

    lax.fori_loop(0, NCHUNK // U1, hist_body, jnp.int32(0))

    @plsc.parallel_loop(0, N, step=L, unroll=16, carry=jnp.int32(0))
    def scan_body(i, carry):
      h = hist_v[pl.ds(i, L)]
      incl = plsc.cumsum(h)
      hist_v[pl.ds(i, L)] = incl - h + carry
      return carry + incl[L - 1]

    h_v.wait()

    @plsc.parallel_loop(0, N, step=L, unroll=16)
    def perm_body(i):
      d = keys_v[pl.ds(i, L)]
      v = vals_v[pl.ds(i, L)]
      r = rank_v[pl.ds(i, L)]
      base = plsc.load_gather(hist_v, [d])
      pos = base + r
      plsc.store_scatter(outv_v, [pos], v)
      plsc.store_scatter(outk_v, [pos], d)

    h_ov = pltpu.make_async_copy(outv_v, outv_hbm.at[row], sem_o)
    h_ov.start()
    pltpu.sync_copy(outk_v, outk_hbm.at[row])
    h_ov.wait()


@jax.jit
def kernel(indices, position_indices):
  mesh = plsc.VectorSubcoreMesh(core_axis_name="c", subcore_axis_name="s")
  run = pl.kernel(
      _sort_row_body,
      out_type=(
          jax.ShapeDtypeStruct((R, N), jnp.float32),
          jax.ShapeDtypeStruct((R, N), jnp.int32),
      ),
      mesh=mesh,
      compiler_params=pltpu.CompilerParams(needs_layout_passes=False),
      scratch_types=[
          pltpu.VMEM((N,), jnp.int32),
          pltpu.VMEM((N,), jnp.float32),
          pltpu.VMEM((N,), jnp.int32),
          pltpu.VMEM((N,), jnp.int32),
          pltpu.VMEM((N,), jnp.int32),
          pltpu.VMEM((N,), jnp.int32),
          pltpu.VMEM((N,), jnp.float32),
          pltpu.SemaphoreType.DMA,
          pltpu.SemaphoreType.DMA,
          pltpu.SemaphoreType.DMA,
      ],
  )
  sorted_vals, sorted_keys = run(position_indices, indices)
  return sorted_vals, sorted_keys

# --- scband reference (transcript-rebuilt; emitter-appended) ---
"""Pipeline reference for scband-raster-scan-permuter-88957362635164 (READ-ONLY COPY).

The authoritative reference and input builder live on the scoring server;
editing this copy changes nothing except your own understanding.
"""

import jax, jax.numpy as jnp
import numpy as np


def setup_inputs(seed: int = 0) -> dict:
    key = jax.random.key(seed)
    k1, k2 = jax.random.split(key)
    indices = jax.random.normal(k1, (16, 4096), dtype=jnp.float32)
    position_indices = jax.random.randint(k2, (16, 4096), 0, 4096, dtype=jnp.int64 if jax.config.jax_enable_x64 else jnp.int32).astype(jnp.int32)
    return {"indices": indices, "position_indices": position_indices}


def reference(indices, position_indices):
    # torch.sort(position_indices, descending=False, dim=-1) -> values + order
    sorted_order = jnp.argsort(position_indices, axis=-1)
    sorted_position_indices = jnp.take_along_axis(position_indices, sorted_order, axis=-1)
    # indices.gather(1, sorted_order)
    sorted_indices = jnp.take_along_axis(indices, sorted_order, axis=-1)
    return (sorted_indices, sorted_position_indices)

if __name__ == "__main__":
    import jax
    _d = setup_inputs()
    print(jax.jit(kernel)(*tuple(_d.values())))

</pallas_src>

<mosaic_0001>
#map = affine_map<(d0, d1) -> (0, 0)>
module attributes {stable_mosaic.version = 14 : i64} {
  func.func @_sort_row_body(%arg0: i32, %arg1: i32, %arg2: memref<16x4096xi32, #tpu.memory_space<hbm>>, %arg3: memref<16x4096xf32, #tpu.memory_space<hbm>>, %arg4: memref<16x4096xf32, #tpu.memory_space<hbm>>, %arg5: memref<16x4096xi32, #tpu.memory_space<hbm>>, %arg6: memref<4096xi32, #tpu.memory_space<vmem>>, %arg7: memref<4096xf32, #tpu.memory_space<vmem>>, %arg8: memref<4096xi32, #tpu.memory_space<vmem>>, %arg9: memref<4096xi32, #tpu.memory_space<vmem>>, %arg10: memref<4096xi32, #tpu.memory_space<vmem>>, %arg11: memref<4096xi32, #tpu.memory_space<vmem>>, %arg12: memref<4096xf32, #tpu.memory_space<vmem>>, %arg13: memref<!tpu.dma_semaphore, #tpu.memory_space<semaphore_mem>>, %arg14: memref<!tpu.dma_semaphore, #tpu.memory_space<semaphore_mem>>, %arg15: memref<!tpu.dma_semaphore, #tpu.memory_space<semaphore_mem>>) attributes {dimension_semantics = [#tpu.dimension_semantics<core_parallel>, #tpu.dimension_semantics<subcore_parallel>], iteration_bounds = array<i64: 2, 16>, scalar_prefetch = 0 : i64, scratch_operands = 10 : i64, tpu.core_type = #tpu.core_type<sc_vector_subcore>, window_params = [{transform_indices = #map}, {transform_indices = #map}, {transform_indices = #map}, {transform_indices = #map}]} {
    %mul3A = arith.constant 2 : i32
    %mul3A_0 = arith.muli %arg1, %mul3A : i32
    %add3A = arith.addi %mul3A_0, %arg0 : i32
    %lt3A = arith.constant 16 : i32
    %lt3A_1 = arith.cmpi slt, %add3A, %lt3A : i32
    %convert_element_type3A = arith.extui %lt3A_1 : i1 to i32
    %cond3A = arith.constant 0 : i32
    %cond3A_2 = arith.cmpi ne, %convert_element_type3A, %cond3A : i32
    scf.if %cond3A_2 {
      %dma_start3A = arith.constant 0 : i32
      %dma_start3A_3 = tpu.memref_slice %arg2[%add3A, %dma_start3A] : memref<16x4096xi32, #tpu.memory_space<hbm>> -> memref<1x4096xi32, #tpu.memory_space<hbm>>
      %dma_start3A_4 = tpu.memref_squeeze %dma_start3A_3 : memref<1x4096xi32, #tpu.memory_space<hbm>> -> memref<4096xi32, #tpu.memory_space<hbm>>
      %dma_start3A_5 = arith.constant 0 : i32
      %dma_start3A_6 = tpu.memref_slice %arg2[%add3A, %dma_start3A_5] : memref<16x4096xi32, #tpu.memory_space<hbm>> -> memref<1x4096xi32, #tpu.memory_space<hbm>>
      %dma_start3A_7 = tpu.memref_squeeze %dma_start3A_6 : memref<1x4096xi32, #tpu.memory_space<hbm>> -> memref<4096xi32, #tpu.memory_space<hbm>>
      tpu.enqueue_dma source(%dma_start3A_7 : memref<4096xi32, #tpu.memory_space<hbm>>) target(%arg6 : memref<4096xi32, #tpu.memory_space<vmem>>) target_semaphore(%arg13 : memref<!tpu.dma_semaphore, #tpu.memory_space<semaphore_mem>>)
      %dma_start3A_8 = arith.constant 0 : i32
      %dma_start3A_9 = tpu.memref_slice %arg3[%add3A, %dma_start3A_8] : memref<16x4096xf32, #tpu.memory_space<hbm>> -> memref<1x4096xf32, #tpu.memory_space<hbm>>
      %dma_start3A_10 = tpu.memref_squeeze %dma_start3A_9 : memref<1x4096xf32, #tpu.memory_space<hbm>> -> memref<4096xf32, #tpu.memory_space<hbm>>
      %dma_start3A_11 = arith.constant 0 : i32
      %dma_start3A_12 = tpu.memref_slice %arg3[%add3A, %dma_start3A_11] : memref<16x4096xf32, #tpu.memory_space<hbm>> -> memref<1x4096xf32, #tpu.memory_space<hbm>>
      %dma_start3A_13 = tpu.memref_squeeze %dma_start3A_12 : memref<1x4096xf32, #tpu.memory_space<hbm>> -> memref<4096xf32, #tpu.memory_space<hbm>>
      tpu.enqueue_dma source(%dma_start3A_13 : memref<4096xf32, #tpu.memory_space<hbm>>) target(%arg7 : memref<4096xf32, #tpu.memory_space<vmem>>) target_semaphore(%arg14 : memref<!tpu.dma_semaphore, #tpu.memory_space<semaphore_mem>>)
      %iota3A = tpu.iota {dimensions = array<i32: 0>} : vector<16xi32>
      %broadcast_in_dim3A = arith.constant true
      %broadcast_in_dim3A_14 = vector.broadcast %broadcast_in_dim3A : i1 to vector<16xi1>
      %unique3A, %unique3A_15 = tpu.scan_count mask(%broadcast_in_dim3A_14 : vector<16xi1>) value(%iota3A : vector<16xi32>) : vector<16xi1>, vector<16xi32>
      %parallel_loop3A = arith.constant 0 : i32
      %parallel_loop3A_16 = arith.constant 4096 : i32
      %parallel_loop3A_17 = arith.constant 16 : i32
      scf.for %parallel_loop3A_57 = %parallel_loop3A to %parallel_loop3A_16 step %parallel_loop3A_17  : i32 {
        %parallel_loop3A_58 = arith.constant 0 : i32
        %parallel_loop3A_59 = vector.broadcast %parallel_loop3A_58 : i32 to vector<16xi32>
        %parallel_loop3A_60 = arith.index_cast %parallel_loop3A_57 : i32 to index
        %parallel_loop3A_61 = tpu.vector_load %arg8[%parallel_loop3A_60] {strides = array<i32>} : memref<4096xi32, #tpu.memory_space<vmem>>, vector<16xi32>,
        tpu.vector_store %arg8[%parallel_loop3A_60], %parallel_loop3A_59 {strides = array<i32>} : memref<4096xi32, #tpu.memory_space<vmem>>, vector<16xi32>,
      } {sc.loop_unroll_factor = 16 : i64, sc.parallel_access}
      %dma_wait3A = arith.constant 0 : i32
      %dma_wait3A_18 = tpu.memref_slice %arg2[%add3A, %dma_wait3A] : memref<16x4096xi32, #tpu.memory_space<hbm>> -> memref<1x4096xi32, #tpu.memory_space<hbm>>
      %dma_wait3A_19 = tpu.memref_squeeze %dma_wait3A_18 : memref<1x4096xi32, #tpu.memory_space<hbm>> -> memref<4096xi32, #tpu.memory_space<hbm>>
      %dma_wait3A_20 = arith.constant 0 : i32
      %dma_wait3A_21 = tpu.memref_slice %arg2[%add3A, %dma_wait3A_20] : memref<16x4096xi32, #tpu.memory_space<hbm>> -> memref<1x4096xi32, #tpu.memory_space<hbm>>
      %dma_wait3A_22 = tpu.memref_squeeze %dma_wait3A_21 : memref<1x4096xi32, #tpu.memory_space<hbm>> -> memref<4096xi32, #tpu.memory_space<hbm>>
      tpu.wait_dma2 semaphore(%arg13 : memref<!tpu.dma_semaphore, #tpu.memory_space<semaphore_mem>>) src(%dma_wait3A_22 : memref<4096xi32, #tpu.memory_space<hbm>>) dst(%arg6 : memref<4096xi32, #tpu.memory_space<vmem>>)
      %parallel_loop3A_23 = arith.constant 0 : i32
      %parallel_loop3A_24 = arith.constant 4096 : i32
      %parallel_loop3A_25 = arith.constant 16 : i32
      scf.for %parallel_loop3A_57 = %parallel_loop3A_23 to %parallel_loop3A_24 step %parallel_loop3A_25  : i32 {
        %parallel_loop3A_58 = arith.index_cast %parallel_loop3A_57 : i32 to index
        %parallel_loop3A_59 = tpu.vector_load %arg6[%parallel_loop3A_58] {strides = array<i32>} : memref<4096xi32, #tpu.memory_space<vmem>>, vector<16xi32>,
        %parallel_loop3A_60 = arith.constant true
        %parallel_loop3A_61 = vector.broadcast %parallel_loop3A_60 : i1 to vector<16xi1>
        %parallel_loop3A_62, %parallel_loop3A_63 = tpu.scan_count mask(%parallel_loop3A_61 : vector<16xi1>) value(%parallel_loop3A_59 : vector<16xi32>) : vector<16xi1>, vector<16xi32>
        %parallel_loop3A_64 = arith.subi %parallel_loop3A_63, %unique3A_15 : vector<16xi32>
        %parallel_loop3A_65 = arith.index_cast %parallel_loop3A_57 : i32 to index
        %parallel_loop3A_66 = tpu.vector_load %arg9[%parallel_loop3A_65] {strides = array<i32>} : memref<4096xi32, #tpu.memory_space<vmem>>, vector<16xi32>,
        tpu.vector_store %arg9[%parallel_loop3A_65], %parallel_loop3A_64 {strides = array<i32>} : memref<4096xi32, #tpu.memory_space<vmem>>, vector<16xi32>,
        %parallel_loop3A_67 = arith.constant 1 : i32
        %parallel_loop3A_68 = vector.broadcast %parallel_loop3A_67 : i32 to vector<16xi32>
        %parallel_loop3A_69 = arith.addi %parallel_loop3A_64, %parallel_loop3A_68 : vector<16xi32>
        %parallel_loop3A_70 = arith.constant 0 : i32
        %parallel_loop3A_71 = vector.broadcast %parallel_loop3A_70 : i32 to vector<16xi32>
        %parallel_loop3A_72 = arith.select %parallel_loop3A_62, %parallel_loop3A_69, %parallel_loop3A_71 : vector<16xi1>, vector<16xi32>
        %parallel_loop3A_73 = arith.index_cast %parallel_loop3A_57 : i32 to index
        %parallel_loop3A_74 = tpu.vector_load %arg10[%parallel_loop3A_73] {strides = array<i32>} : memref<4096xi32, #tpu.memory_space<vmem>>, vector<16xi32>,
        tpu.vector_store %arg10[%parallel_loop3A_73], %parallel_loop3A_72 {strides = array<i32>} : memref<4096xi32, #tpu.memory_space<vmem>>, vector<16xi32>,
      } {sc.loop_unroll_factor = 16 : i64, sc.parallel_access}
      %scan3A = arith.constant 0 : i32
      %scan3A_26 = arith.constant 0 : i32
      %scan3A_27 = arith.constant 16 : i32
      %scan3A_28 = arith.addi %scan3A_26, %scan3A_27 : i32
      %scan3A_29 = arith.constant 1 : i32
      scf.for %scan3A_57 = %scan3A_26 to %scan3A_28 step %scan3A_29  : i32 {
        %mul3A_58 = arith.constant 16 : i32
        %mul3A_59 = arith.muli %scan3A_57, %mul3A_58 : i32
        %add3A_60 = arith.constant 0 : i32
        %add3A_61 = arith.addi %mul3A_59, %add3A_60 : i32
        %mul3A_62 = arith.constant 16 : i32
        %mul3A_63 = arith.muli %add3A_61, %mul3A_62 : i32
        %get3A = arith.index_cast %mul3A_63 : i32 to index
        %get3A_64 = tpu.vector_load %arg6[%get3A] {strides = array<i32>} : memref<4096xi32, #tpu.memory_space<vmem>>, vector<16xi32>,
        %get3A_65 = arith.index_cast %mul3A_63 : i32 to index
        %get3A_66 = tpu.vector_load %arg10[%get3A_65] {strides = array<i32>} : memref<4096xi32, #tpu.memory_space<vmem>>, vector<16xi32>,
        %gather3A = tpu.vector_load_idx %arg8[%get3A_64] : memref<4096xi32, #tpu.memory_space<vmem>>[vector<16xi32>], vector<16xi32>,
        %get3A_67 = arith.index_cast %mul3A_63 : i32 to index
        %get3A_68 = tpu.vector_load %arg9[%get3A_67] {strides = array<i32>} : memref<4096xi32, #tpu.memory_space<vmem>>, vector<16xi32>,
        %add3A_69 = arith.addi %get3A_68, %gather3A : vector<16xi32>
        %swap3A = arith.index_cast %mul3A_63 : i32 to index
        %swap3A_70 = tpu.vector_load %arg9[%swap3A] {strides = array<i32>} : memref<4096xi32, #tpu.memory_space<vmem>>, vector<16xi32>,
        tpu.vector_store %arg9[%swap3A], %add3A_69 {strides = array<i32>} : memref<4096xi32, #tpu.memory_space<vmem>>, vector<16xi32>,
        %gt3A = arith.constant 0 : i32
        %gt3A_71 = vector.broadcast %gt3A : i32 to vector<16xi32>
        %gt3A_72 = arith.cmpi sgt, %get3A_66, %gt3A_71 : vector<16xi32>
        tpu.vector_store_idx %arg8[%get3A_64], %get3A_66 masked %gt3A_72 {add = true} : memref<4096xi32, #tpu.memory_space<vmem>>[vector<16xi32>], vector<16xi32>, vector<16xi1>
        %mul3A_73 = arith.constant 16 : i32
        %mul3A_74 = arith.muli %scan3A_57, %mul3A_73 : i32
        %add3A_75 = arith.constant 1 : i32
        %add3A_76 = arith.addi %mul3A_74, %add3A_75 : i32
        %mul3A_77 = arith.constant 16 : i32
        %mul3A_78 = arith.muli %add3A_76, %mul3A_77 : i32
        %get3A_79 = arith.index_cast %mul3A_78 : i32 to index
        %get3A_80 = tpu.vector_load %arg6[%get3A_79] {strides = array<i32>} : memref<4096xi32, #tpu.memory_space<vmem>>, vector<16xi32>,
        %get3A_81 = arith.index_cast %mul3A_78 : i32 to index
        %get3A_82 = tpu.vector_load %arg10[%get3A_81] {strides = array<i32>} : memref<4096xi32, #tpu.memory_space<vmem>>, vector<16xi32>,
        %gather3A_83 = tpu.vector_load_idx %arg8[%get3A_80] : memref<4096xi32, #tpu.memory_space<vmem>>[vector<16xi32>], vector<16xi32>,
        %get3A_84 = arith.index_cast %mul3A_78 : i32 to index
        %get3A_85 = tpu.vector_load %arg9[%get3A_84] {strides = array<i32>} : memref<4096xi32, #tpu.memory_space<vmem>>, vector<16xi32>,
        %add3A_86 = arith.addi %get3A_85, %gather3A_83 : vector<16xi32>
        %swap3A_87 = arith.index_cast %mul3A_78 : i32 to index
        %swap3A_88 = tpu.vector_load %arg9[%swap3A_87] {strides = array<i32>} : memref<4096xi32, #tpu.memory_space<vmem>>, vector<16xi32>,
        tpu.vector_store %arg9[%swap3A_87], %add3A_86 {strides = array<i32>} : memref<4096xi32, #tpu.memory_space<vmem>>, vector<16xi32>,
        %gt3A_89 = arith.constant 0 : i32
        %gt3A_90 = vector.broadcast %gt3A_89 : i32 to vector<16xi32>
        %gt3A_91 = arith.cmpi sgt, %get3A_82, %gt3A_90 : vector<16xi32>
        tpu.vector_store_idx %arg8[%get3A_80], %get3A_82 masked %gt3A_91 {add = true} : memref<4096xi32, #tpu.memory_space<vmem>>[vector<16xi32>], vector<16xi32>, vector<16xi1>
        %mul3A_92 = arith.constant 16 : i32
        %mul3A_93 = arith.muli %scan3A_57, %mul3A_92 : i32
        %add3A_94 = arith.constant 2 : i32
        %add3A_95 = arith.addi %mul3A_93, %add3A_94 : i32
        %mul3A_96 = arith.constant 16 : i32
        %mul3A_97 = arith.muli %add3A_95, %mul3A_96 : i32
        %get3A_98 = arith.index_cast %mul3A_97 : i32 to index
        %get3A_99 = tpu.vector_load %arg6[%get3A_98] {strides = array<i32>} : memref<4096xi32, #tpu.memory_space<vmem>>, vector<16xi32>,
        %get3A_100 = arith.index_cast %mul3A_97 : i32 to index
        %get3A_101 = tpu.vector_load %arg10[%get3A_100] {strides = array<i32>} : memref<4096xi32, #tpu.memory_space<vmem>>, vector<16xi32>,
        %gather3A_102 = tpu.vector_load_idx %arg8[%get3A_99] : memref<4096xi32, #tpu.memory_space<vmem>>[vector<16xi32>], vector<16xi32>,
        %get3A_103 = arith.index_cast %mul3A_97 : i32 to index
        %get3A_104 = tpu.vector_load %arg9[%get3A_103] {strides = array<i32>} : memref<4096xi32, #tpu.memory_space<vmem>>, vector<16xi32>,
        %add3A_105 = arith.addi %get3A_104, %gather3A_102 : vector<16xi32>
        %swap3A_106 = arith.index_cast %mul3A_97 : i32 to index
        %swap3A_107 = tpu.vector_load %arg9[%swap3A_106] {strides = array<i32>} : memref<4096xi32, #tpu.memory_space<vmem>>, vector<16xi32>,
        tpu.vector_store %arg9[%swap3A_106], %add3A_105 {strides = array<i32>} : memref<4096xi32, #tpu.memory_space<vmem>>, vector<16xi32>,
        %gt3A_108 = arith.constant 0 : i32
        %gt3A_109 = vector.broadcast %gt3A_108 : i32 to vector<16xi32>
        %gt3A_110 = arith.cmpi sgt, %get3A_101, %gt3A_109 : vector<16xi32>
        tpu.vector_store_idx %arg8[%get3A_99], %get3A_101 masked %gt3A_110 {add = true} : memref<4096xi32, #tpu.memory_space<vmem>>[vector<16xi32>], vector<16xi32>, vector<16xi1>
        %mul3A_111 = arith.constant 16 : i32
        %mul3A_112 = arith.muli %scan3A_57, %mul3A_111 : i32
        %add3A_113 = arith.constant 3 : i32
        %add3A_114 = arith.addi %mul3A_112, %add3A_113 : i32
        %mul3A_115 = arith.constant 16 : i32
        %mul3A_116 = arith.muli %add3A_114, %mul3A_115 : i32
        %get3A_117 = arith.index_cast %mul3A_116 : i32 to index
        %get3A_118 = tpu.vector_load %arg6[%get3A_117] {strides = array<i32>} : memref<4096xi32, #tpu.memory_space<vmem>>, vector<16xi32>,
        %get3A_119 = arith.index_cast %mul3A_116 : i32 to index
        %get3A_120 = tpu.vector_load %arg10[%get3A_119] {strides = array<i32>} : memref<4096xi32, #tpu.memory_space<vmem>>, vector<16xi32>,
        %gather3A_121 = tpu.vector_load_idx %arg8[%get3A_118] : memref<4096xi32, #tpu.memory_space<vmem>>[vector<16xi32>], vector<16xi32>,
        %get3A_122 = arith.index_cast %mul3A_116 : i32 to index
        %get3A_123 = tpu.vector_load %arg9[%get3A_122] {strides = array<i32>} : memref<4096xi32, #tpu.memory_space<vmem>>, vector<16xi32>,
        %add3A_124 = arith.addi %get3A_123, %gather3A_121 : vector<16xi32>
        %swap3A_125 = arith.index_cast %mul3A_116 : i32 to index
        %swap3A_126 = tpu.vector_load %arg9[%swap3A_125] {strides = array<i32>} : memref<4096xi32, #tpu.memory_space<vmem>>, vector<16xi32>,
        tpu.vector_store %arg9[%swap3A_125], %add3A_124 {strides = array<i32>} : memref<4096xi32, #tpu.memory_space<vmem>>, vector<16xi32>,
        %gt3A_127 = arith.constant 0 : i32
        %gt3A_128 = vector.broadcast %gt3A_127 : i32 to vector<16xi32>
        %gt3A_129 = arith.cmpi sgt, %get3A_120, %gt3A_128 : vector<16xi32>
        tpu.vector_store_idx %arg8[%get3A_118], %get3A_120 masked %gt3A_129 {add = true} : memref<4096xi32, #tpu.memory_space<vmem>>[vector<16xi32>], vector<16xi32>, vector<16xi1>
        %mul3A_130 = arith.constant 16 : i32
        %mul3A_131 = arith.muli %scan3A_57, %mul3A_130 : i32
        %add3A_132 = arith.constant 4 : i32
        %add3A_133 = arith.addi %mul3A_131, %add3A_132 : i32
        %mul3A_134 = arith.constant 16 : i32
        %mul3A_135 = arith.muli %add3A_133, %mul3A_134 : i32
        %get3A_136 = arith.index_cast %mul3A_135 : i32 to index
        %get3A_137 = tpu.vector_load %arg6[%get3A_136] {strides = array<i32>} : memref<4096xi32, #tpu.memory_space<vmem>>, vector<16xi32>,
        %get3A_138 = arith.index_cast %mul3A_135 : i32 to index
        %get3A_139 = tpu.vector_load %arg10[%get3A_138] {strides = array<i32>} : memref<4096xi32, #tpu.memory_space<vmem>>, vector<16xi32>,
        %gather3A_140 = tpu.vector_load_idx %arg8[%get3A_137] : memref<4096xi32, #tpu.memory_space<vmem>>[vector<16xi32>], vector<16xi32>,
        %get3A_141 = arith.index_cast %mul3A_135 : i32 to index
        %get3A_142 = tpu.vector_load %arg9[%get3A_141] {strides = array<i32>} : memref<4096xi32, #tpu.memory_space<vmem>>, vector<16xi32>,
        %add3A_143 = arith.addi %get3A_142, %gather3A_140 : vector<16xi32>
        %swap3A_144 = arith.index_cast %mul3A_135 : i32 to index
        %swap3A_145 = tpu.vector_load %arg9[%swap3A_144] {strides = array<i32>} : memref<4096xi32, #tpu.memory_space<vmem>>, vector<16xi32>,
        tpu.vector_store %arg9[%swap3A_144], %add3A_143 {strides = array<i32>} : memref<4096xi32, #tpu.memory_space<vmem>>, vector<16xi32>,
        %gt3A_146 = arith.constant 0 : i32
        %gt3A_147 = vector.broadcast %gt3A_146 : i32 to vector<16xi32>
        %gt3A_148 = arith.cmpi sgt, %get3A_139, %gt3A_147 : vector<16xi32>
        tpu.vector_store_idx %arg8[%get3A_137], %get3A_139 masked %gt3A_148 {add = true} : memref<4096xi32, #tpu.memory_space<vmem>>[vector<16xi32>], vector<16xi32>, vector<16xi1>
        %mul3A_149 = arith.constant 16 : i32
        %mul3A_150 = arith.muli %scan3A_57, %mul3A_149 : i32
        %add3A_151 = arith.constant 5 : i32
        %add3A_152 = arith.addi %mul3A_150, %add3A_151 : i32
        %mul3A_153 = arith.constant 16 : i32
        %mul3A_154 = arith.muli %add3A_152, %mul3A_153 : i32
        %get3A_155 = arith.index_cast %mul3A_154 : i32 to index
        %get3A_156 = tpu.vector_load %arg6[%get3A_155] {strides = array<i32>} : memref<4096xi32, #tpu.memory_space<vmem>>, vector<16xi32>,
        %get3A_157 = arith.index_cast %mul3A_154 : i32 to index
        %get3A_158 = tpu.vector_load %arg10[%get3A_157] {strides = array<i32>} : memref<4096xi32, #tpu.memory_space<vmem>>, vector<16xi32>,
        %gather3A_159 = tpu.vector_load_idx %arg8[%get3A_156] : memref<4096xi32, #tpu.memory_space<vmem>>[vector<16xi32>], vector<16xi32>,
        %get3A_160 = arith.index_cast %mul3A_154 : i32 to index
        %get3A_161 = tpu.vector_load %arg9[%get3A_160] {strides = array<i32>} : memref<4096xi32, #tpu.memory_space<vmem>>, vector<16xi32>,
        %add3A_162 = arith.addi %get3A_161, %gather3A_159 : vector<16xi32>
        %swap3A_163 = arith.index_cast %mul3A_154 : i32 to index
        %swap3A_164 = tpu.vector_load %arg9[%swap3A_163] {strides = array<i32>} : memref<4096xi32, #tpu.memory_space<vmem>>, vector<16xi32>,
        tpu.vector_store %arg9[%swap3A_163], %add3A_162 {strides = array<i32>} : memref<4096xi32, #tpu.memory_space<vmem>>, vector<16xi32>,
        %gt3A_165 = arith.constant 0 : i32
        %gt3A_166 = vector.broadcast %gt3A_165 : i32 to vector<16xi32>
        %gt3A_167 = arith.cmpi sgt, %get3A_158, %gt3A_166 : vector<16xi32>
        tpu.vector_store_idx %arg8[%get3A_156], %get3A_158 masked %gt3A_167 {add = true} : memref<4096xi32, #tpu.memory_space<vmem>>[vector<16xi32>], vector<16xi32>, vector<16xi1>
        %mul3A_168 = arith.constant 16 : i32
        %mul3A_169 = arith.muli %scan3A_57, %mul3A_168 : i32
        %add3A_170 = arith.constant 6 : i32
        %add3A_171 = arith.addi %mul3A_169, %add3A_170 : i32
        %mul3A_172 = arith.constant 16 : i32
        %mul3A_173 = arith.muli %add3A_171, %mul3A_172 : i32
        %get3A_174 = arith.index_cast %mul3A_173 : i32 to index
        %get3A_175 = tpu.vector_load %arg6[%get3A_174] {strides = array<i32>} : memref<4096xi32, #tpu.memory_space<vmem>>, vector<16xi32>,
        %get3A_176 = arith.index_cast %mul3A_173 : i32 to index
        %get3A_177 = tpu.vector_load %arg10[%get3A_176] {strides = array<i32>} : memref<4096xi32, #tpu.memory_space<vmem>>, vector<16xi32>,
        %gather3A_178 = tpu.vector_load_idx %arg8[%get3A_175] : memref<4096xi32, #tpu.memory_space<vmem>>[vector<16xi32>], vector<16xi32>,
        %get3A_179 = arith.index_cast %mul3A_173 : i32 to index
        %get3A_180 = tpu.vector_load %arg9[%get3A_179] {strides = array<i32>} : memref<4096xi32, #tpu.memory_space<vmem>>, vector<16xi32>,
        %add3A_181 = arith.addi %get3A_180, %gather3A_178 : vector<16xi32>
        %swap3A_182 = arith.index_cast %mul3A_173 : i32 to index
        %swap3A_183 = tpu.vector_load %arg9[%swap3A_182] {strides = array<i32>} : memref<4096xi32, #tpu.memory_space<vmem>>, vector<16xi32>,
        tpu.vector_store %arg9[%swap3A_182], %add3A_181 {strides = array<i32>} : memref<4096xi32, #tpu.memory_space<vmem>>, vector<16xi32>,
        %gt3A_184 = arith.constant 0 : i32
        %gt3A_185 = vector.broadcast %gt3A_184 : i32 to vector<16xi32>
        %gt3A_186 = arith.cmpi sgt, %get3A_177, %gt3A_185 : vector<16xi32>
        tpu.vector_store_idx %arg8[%get3A_175], %get3A_177 masked %gt3A_186 {add = true} : memref<4096xi32, #tpu.memory_space<vmem>>[vector<16xi32>], vector<16xi32>, vector<16xi1>
        %mul3A_187 = arith.constant 16 : i32
        %mul3A_188 = arith.muli %scan3A_57, %mul3A_187 : i32
        %add3A_189 = arith.constant 7 : i32
        %add3A_190 = arith.addi %mul3A_188, %add3A_189 : i32
        %mul3A_191 = arith.constant 16 : i32
        %mul3A_192 = arith.muli %add3A_190, %mul3A_191 : i32
        %get3A_193 = arith.index_cast %mul3A_192 : i32 to index
        %get3A_194 = tpu.vector_load %arg6[%get3A_193] {strides = array<i32>} : memref<4096xi32, #tpu.memory_space<vmem>>, vector<16xi32>,
        %get3A_195 = arith.index_cast %mul3A_192 : i32 to index
        %get3A_196 = tpu.vector_load %arg10[%get3A_195] {strides = array<i32>} : memref<4096xi32, #tpu.memory_space<vmem>>, vector<16xi32>,
        %gather3A_197 = tpu.vector_load_idx %arg8[%get3A_194] : memref<4096xi32, #tpu.memory_space<vmem>>[vector<16xi32>], vector<16xi32>,
        %get3A_198 = arith.index_cast %mul3A_192 : i32 to index
        %get3A_199 = tpu.vector_load %arg9[%get3A_198] {strides = array<i32>} : memref<4096xi32, #tpu.memory_space<vmem>>, vector<16xi32>,
        %add3A_200 = arith.addi %get3A_199, %gather3A_197 : vector<16xi32>
        %swap3A_201 = arith.index_cast %mul3A_192 : i32 to index
        %swap3A_202 = tpu.vector_load %arg9[%swap3A_201] {strides = array<i32>} : memref<4096xi32, #tpu.memory_space<vmem>>, vector<16xi32>,
        tpu.vector_store %arg9[%swap3A_201], %add3A_200 {strides = array<i32>} : memref<4096xi32, #tpu.memory_space<vmem>>, vector<16xi32>,
        %gt3A_203 = arith.constant 0 : i32
        %gt3A_204 = vector.broadcast %gt3A_203 : i32 to vector<16xi32>
        %gt3A_205 = arith.cmpi sgt, %get3A_196, %gt3A_204 : vector<16xi32>
        tpu.vector_store_idx %arg8[%get3A_194], %get3A_196 masked %gt3A_205 {add = true} : memref<4096xi32, #tpu.memory_space<vmem>>[vector<16xi32>], vector<16xi32>, vector<16xi1>
        %mul3A_206 = arith.constant 16 : i32
        %mul3A_207 = arith.muli %scan3A_57, %mul3A_206 : i32
        %add3A_208 = arith.constant 8 : i32
        %add3A_209 = arith.addi %mul3A_207, %add3A_208 : i32
        %mul3A_210 = arith.constant 16 : i32
        %mul3A_211 = arith.muli %add3A_209, %mul3A_210 : i32
        %get3A_212 = arith.index_cast %mul3A_211 : i32 to index
        %get3A_213 = tpu.vector_load %arg6[%get3A_212] {strides = array<i32>} : memref<4096xi32, #tpu.memory_space<vmem>>, vector<16xi32>,
        %get3A_214 = arith.index_cast %mul3A_211 : i32 to index
        %get3A_215 = tpu.vector_load %arg10[%get3A_214] {strides = array<i32>} : memref<4096xi32, #tpu.memory_space<vmem>>, vector<16xi32>,
        %gather3A_216 = tpu.vector_load_idx %arg8[%get3A_213] : memref<4096xi32, #tpu.memory_space<vmem>>[vector<16xi32>], vector<16xi32>,
        %get3A_217 = arith.index_cast %mul3A_211 : i32 to index
        %get3A_218 = tpu.vector_load %arg9[%get3A_217] {strides = array<i32>} : memref<4096xi32, #tpu.memory_space<vmem>>, vector<16xi32>,
        %add3A_219 = arith.addi %get3A_218, %gather3A_216 : vector<16xi32>
        %swap3A_220 = arith.index_cast %mul3A_211 : i32 to index
        %swap3A_221 = tpu.vector_load %arg9[%swap3A_220] {strides = array<i32>} : memref<4096xi32, #tpu.memory_space<vmem>>, vector<16xi32>,
        tpu.vector_store %arg9[%swap3A_220], %add3A_219 {strides = array<i32>} : memref<4096xi32, #tpu.memory_space<vmem>>, vector<16xi32>,
        %gt3A_222 = arith.constant 0 : i32
        %gt3A_223 = vector.broadcast %gt3A_222 : i32 to vector<16xi32>
        %gt3A_224 = arith.cmpi sgt, %get3A_215, %gt3A_223 : vector<16xi32>
        tpu.vector_store_idx %arg8[%get3A_213], %get3A_215 masked %gt3A_224 {add = true} : memref<4096xi32, #tpu.memory_space<vmem>>[vector<16xi32>], vector<16xi32>, vector<16xi1>
        %mul3A_225 = arith.constant 16 : i32
        %mul3A_226 = arith.muli %scan3A_57, %mul3A_225 : i32
        %add3A_227 = arith.constant 9 : i32
        %add3A_228 = arith.addi %mul3A_226, %add3A_227 : i32
        %mul3A_229 = arith.constant 16 : i32
        %mul3A_230 = arith.muli %add3A_228, %mul3A_229 : i32
        %get3A_231 = arith.index_cast %mul3A_230 : i32 to index
        %get3A_232 = tpu.vector_load %arg6[%get3A_231] {strides = array<i32>} : memref<4096xi32, #tpu.memory_space<vmem>>, vector<16xi32>,
        %get3A_233 = arith.index_cast %mul3A_230 : i32 to index
        %get3A_234 = tpu.vector_load %arg10[%get3A_233] {strides = array<i32>} : memref<4096xi32, #tpu.memory_space<vmem>>, vector<16xi32>,
        %gather3A_235 = tpu.vector_load_idx %arg8[%get3A_232] : memref<4096xi32, #tpu.memory_space<vmem>>[vector<16xi32>], vector<16xi32>,
        %get3A_236 = arith.index_cast %mul3A_230 : i32 to index
        %get3A_237 = tpu.vector_load %arg9[%get3A_236] {strides = array<i32>} : memref<4096xi32, #tpu.memory_space<vmem>>, vector<16xi32>,
        %add3A_238 = arith.addi %get3A_237, %gather3A_235 : vector<16xi32>
        %swap3A_239 = arith.index_cast %mul3A_230 : i32 to index
        %swap3A_240 = tpu.vector_load %arg9[%swap3A_239] {strides = array<i32>} : memref<4096xi32, #tpu.memory_space<vmem>>, vector<16xi32>,
        tpu.vector_store %arg9[%swap3A_239], %add3A_238 {strides = array<i32>} : memref<4096xi32, #tpu.memory_space<vmem>>, vector<16xi32>,
        %gt3A_241 = arith.constant 0 : i32
        %gt3A_242 = vector.broadcast %gt3A_241 : i32 to vector<16xi32>
        %gt3A_243 = arith.cmpi sgt, %get3A_234, %gt3A_242 : vector<16xi32>
        tpu.vector_store_idx %arg8[%get3A_232], %get3A_234 masked %gt3A_243 {add = true} : memref<4096xi32, #tpu.memory_space<vmem>>[vector<16xi32>], vector<16xi32>, vector<16xi1>
        %mul3A_244 = arith.constant 16 : i32
        %mul3A_245 = arith.muli %scan3A_57, %mul3A_244 : i32
        %add3A_246 = arith.constant 10 : i32
        %add3A_247 = arith.addi %mul3A_245, %add3A_246 : i32
        %mul3A_248 = arith.constant 16 : i32
        %mul3A_249 = arith.muli %add3A_247, %mul3A_248 : i32
        %get3A_250 = arith.index_cast %mul3A_249 : i32 to index
        %get3A_251 = tpu.vector_load %arg6[%get3A_250] {strides = array<i32>} : memref<4096xi32, #tpu.memory_space<vmem>>, vector<16xi32>,
        %get3A_252 = arith.index_cast %mul3A_249 : i32 to index
        %get3A_253 = tpu.vector_load %arg10[%get3A_252] {strides = array<i32>} : memref<4096xi32, #tpu.memory_space<vmem>>, vector<16xi32>,
        %gather3A_254 = tpu.vector_load_idx %arg8[%get3A_251] : memref<4096xi32, #tpu.memory_space<vmem>>[vector<16xi32>], vector<16xi32>,
        %get3A_255 = arith.index_cast %mul3A_249 : i32 to index
        %get3A_256 = tpu.vector_load %arg9[%get3A_255] {strides = array<i32>} : memref<4096xi32, #tpu.memory_space<vmem>>, vector<16xi32>,
        %add3A_257 = arith.addi %get3A_256, %gather3A_254 : vector<16xi32>
        %swap3A_258 = arith.index_cast %mul3A_249 : i32 to index
        %swap3A_259 = tpu.vector_load %arg9[%swap3A_258] {strides = array<i32>} : memref<4096xi32, #tpu.memory_space<vmem>>, vector<16xi32>,
        tpu.vector_store %arg9[%swap3A_258], %add3A_257 {strides = array<i32>} : memref<4096xi32, #tpu.memory_space<vmem>>, vector<16xi32>,
        %gt3A_260 = arith.constant 0 : i32
        %gt3A_261 = vector.broadcast %gt3A_260 : i32 to vector<16xi32>
        %gt3A_262 = arith.cmpi sgt, %get3A_253, %gt3A_261 : vector<16xi32>
        tpu.vector_store_idx %arg8[%get3A_251], %get3A_253 masked %gt3A_262 {add = true} : memref<4096xi32, #tpu.memory_space<vmem>>[vector<16xi32>], vector<16xi32>, vector<16xi1>
        %mul3A_263 = arith.constant 16 : i32
        %mul3A_264 = arith.muli %scan3A_57, %mul3A_263 : i32
        %add3A_265 = arith.constant 11 : i32
        %add3A_266 = arith.addi %mul3A_264, %add3A_265 : i32
        %mul3A_267 = arith.constant 16 : i32
        %mul3A_268 = arith.muli %add3A_266, %mul3A_267 : i32
        %get3A_269 = arith.index_cast %mul3A_268 : i32 to index
        %get3A_270 = tpu.vector_load %arg6[%get3A_269] {strides = array<i32>} : memref<4096xi32, #tpu.memory_space<vmem>>, vector<16xi32>,
        %get3A_271 = arith.index_cast %mul3A_268 : i32 to index
        %get3A_272 = tpu.vector_load %arg10[%get3A_271] {strides = array<i32>} : memref<4096xi32, #tpu.memory_space<vmem>>, vector<16xi32>,
        %gather3A_273 = tpu.vector_load_idx %arg8[%get3A_270] : memref<4096xi32, #tpu.memory_space<vmem>>[vector<16xi32>], vector<16xi32>,
        %get3A_274 = arith.index_cast %mul3A_268 : i32 to index
        %get3A_275 = tpu.vector_load %arg9[%get3A_274] {strides = array<i32>} : memref<4096xi32, #tpu.memory_space<vmem>>, vector<16xi32>,
        %add3A_276 = arith.addi %get3A_275, %gather3A_273 : vector<16xi32>
        %swap3A_277 = arith.index_cast %mul3A_268 : i32 to index
        %swap3A_278 = tpu.vector_load %arg9[%swap3A_277] {strides = array<i32>} : memref<4096xi32, #tpu.memory_space<vmem>>, vector<16xi32>,
        tpu.vector_store %arg9[%swap3A_277], %add3A_276 {strides = array<i32>} : memref<4096xi32, #tpu.memory_space<vmem>>, vector<16xi32>,
        %gt3A_279 = arith.constant 0 : i32
        %gt3A_280 = vector.broadcast %gt3A_279 : i32 to vector<16xi32>
        %gt3A_281 = arith.cmpi sgt, %get3A_272, %gt3A_280 : vector<16xi32>
        tpu.vector_store_idx %arg8[%get3A_270], %get3A_272 masked %gt3A_281 {add = true} : memref<4096xi32, #tpu.memory_space<vmem>>[vector<16xi32>], vector<16xi32>, vector<16xi1>
        %mul3A_282 = arith.constant 16 : i32
        %mul3A_283 = arith.muli %scan3A_57, %mul3A_282 : i32
        %add3A_284 = arith.constant 12 : i32
        %add3A_285 = arith.addi %mul3A_283, %add3A_284 : i32
        %mul3A_286 = arith.constant 16 : i32
        %mul3A_287 = arith.muli %add3A_285, %mul3A_286 : i32
        %get3A_288 = arith.index_cast %mul3A_287 : i32 to index
        %get3A_289 = tpu.vector_load %arg6[%get3A_288] {strides = array<i32>} : memref<4096xi32, #tpu.memory_space<vmem>>, vector<16xi32>,
        %get3A_290 = arith.index_cast %mul3A_287 : i32 to index
        %get3A_291 = tpu.vector_load %arg10[%get3A_290] {strides = array<i32>} : memref<4096xi32, #tpu.memory_space<vmem>>, vector<16xi32>,
        %gather3A_292 = tpu.vector_load_idx %arg8[%get3A_289] : memref<4096xi32, #tpu.memory_space<vmem>>[vector<16xi32>], vector<16xi32>,
        %get3A_293 = arith.index_cast %mul3A_287 : i32 to index
        %get3A_294 = tpu.vector_load %arg9[%get3A_293] {strides = array<i32>} : memref<4096xi32, #tpu.memory_space<vmem>>, vector<16xi32>,
        %add3A_295 = arith.addi %get3A_294, %gather3A_292 : vector<16xi32>
        %swap3A_296 = arith.index_cast %mul3A_287 : i32 to index
        %swap3A_297 = tpu.vector_load %arg9[%swap3A_296] {strides = array<i32>} : memref<4096xi32, #tpu.memory_space<vmem>>, vector<16xi32>,
        tpu.vector_store %arg9[%swap3A_296], %add3A_295 {strides = array<i32>} : memref<4096xi32, #tpu.memory_space<vmem>>, vector<16xi32>,
        %gt3A_298 = arith.constant 0 : i32
        %gt3A_299 = vector.broadcast %gt3A_298 : i32 to vector<16xi32>
        %gt3A_300 = arith.cmpi sgt, %get3A_291, %gt3A_299 : vector<16xi32>
        tpu.vector_store_idx %arg8[%get3A_289], %get3A_291 masked %gt3A_300 {add = true} : memref<4096xi32, #tpu.memory_space<vmem>>[vector<16xi32>], vector<16xi32>, vector<16xi1>
        %mul3A_301 = arith.constant 16 : i32
        %mul3A_302 = arith.muli %scan3A_57, %mul3A_301 : i32
        %add3A_303 = arith.constant 13 : i32
        %add3A_304 = arith.addi %mul3A_302, %add3A_303 : i32
        %mul3A_305 = arith.constant 16 : i32
        %mul3A_306 = arith.muli %add3A_304, %mul3A_305 : i32
        %get3A_307 = arith.index_cast %mul3A_306 : i32 to index
        %get3A_308 = tpu.vector_load %arg6[%get3A_307] {strides = array<i32>} : memref<4096xi32, #tpu.memory_space<vmem>>, vector<16xi32>,
        %get3A_309 = arith.index_cast %mul3A_306 : i32 to index
        %get3A_310 = tpu.vector_load %arg10[%get3A_309] {strides = array<i32>} : memref<4096xi32, #tpu.memory_space<vmem>>, vector<16xi32>,
        %gather3A_311 = tpu.vector_load_idx %arg8[%get3A_308] : memref<4096xi32, #tpu.memory_space<vmem>>[vector<16xi32>], vector<16xi32>,
        %get3A_312 = arith.index_cast %mul3A_306 : i32 to index
        %get3A_313 = tpu.vector_load %arg9[%get3A_312] {strides = array<i32>} : memref<4096xi32, #tpu.memory_space<vmem>>, vector<16xi32>,
        %add3A_314 = arith.addi %get3A_313, %gather3A_311 : vector<16xi32>
        %swap3A_315 = arith.index_cast %mul3A_306 : i32 to index
        %swap3A_316 = tpu.vector_load %arg9[%swap3A_315] {strides = array<i32>} : memref<4096xi32, #tpu.memory_space<vmem>>, vector<16xi32>,
        tpu.vector_store %arg9[%swap3A_315], %add3A_314 {strides = array<i32>} : memref<4096xi32, #tpu.memory_space<vmem>>, vector<16xi32>,
        %gt3A_317 = arith.constant 0 : i32
        %gt3A_318 = vector.broadcast %gt3A_317 : i32 to vector<16xi32>
        %gt3A_319 = arith.cmpi sgt, %get3A_310, %gt3A_318 : vector<16xi32>
        tpu.vector_store_idx %arg8[%get3A_308], %get3A_310 masked %gt3A_319 {add = true} : memref<4096xi32, #tpu.memory_space<vmem>>[vector<16xi32>], vector<16xi32>, vector<16xi1>
        %mul3A_320 = arith.constant 16 : i32
        %mul3A_321 = arith.muli %scan3A_57, %mul3A_320 : i32
        %add3A_322 = arith.constant 14 : i32
        %add3A_323 = arith.addi %mul3A_321, %add3A_322 : i32
        %mul3A_324 = arith.constant 16 : i32
        %mul3A_325 = arith.muli %add3A_323, %mul3A_324 : i32
        %get3A_326 = arith.index_cast %mul3A_325 : i32 to index
        %get3A_327 = tpu.vector_load %arg6[%get3A_326] {strides = array<i32>} : memref<4096xi32, #tpu.memory_space<vmem>>, vector<16xi32>,
        %get3A_328 = arith.index_cast %mul3A_325 : i32 to index
        %get3A_329 = tpu.vector_load %arg10[%get3A_328] {strides = array<i32>} : memref<4096xi32, #tpu.memory_space<vmem>>, vector<16xi32>,
        %gather3A_330 = tpu.vector_load_idx %arg8[%get3A_327] : memref<4096xi32, #tpu.memory_space<vmem>>[vector<16xi32>], vector<16xi32>,
        %get3A_331 = arith.index_cast %mul3A_325 : i32 to index
        %get3A_332 = tpu.vector_load %arg9[%get3A_331] {strides = array<i32>} : memref<4096xi32, #tpu.memory_space<vmem>>, vector<16xi32>,
        %add3A_333 = arith.addi %get3A_332, %gather3A_330 : vector<16xi32>
        %swap3A_334 = arith.index_cast %mul3A_325 : i32 to index
        %swap3A_335 = tpu.vector_load %arg9[%swap3A_334] {strides = array<i32>} : memref<4096xi32, #tpu.memory_space<vmem>>, vector<16xi32>,
        tpu.vector_store %arg9[%swap3A_334], %add3A_333 {strides = array<i32>} : memref<4096xi32, #tpu.memory_space<vmem>>, vector<16xi32>,
        %gt3A_336 = arith.constant 0 : i32
        %gt3A_337 = vector.broadcast %gt3A_336 : i32 to vector<16xi32>
        %gt3A_338 = arith.cmpi sgt, %get3A_329, %gt3A_337 : vector<16xi32>
        tpu.vector_store_idx %arg8[%get3A_327], %get3A_329 masked %gt3A_338 {add = true} : memref<4096xi32, #tpu.memory_space<vmem>>[vector<16xi32>], vector<16xi32>, vector<16xi1>
        %mul3A_339 = arith.constant 16 : i32
        %mul3A_340 = arith.muli %scan3A_57, %mul3A_339 : i32
        %add3A_341 = arith.constant 15 : i32
        %add3A_342 = arith.addi %mul3A_340, %add3A_341 : i32
        %mul3A_343 = arith.constant 16 : i32
        %mul3A_344 = arith.muli %add3A_342, %mul3A_343 : i32
        %get3A_345 = arith.index_cast %mul3A_344 : i32 to index
        %get3A_346 = tpu.vector_load %arg6[%get3A_345] {strides = array<i32>} : memref<4096xi32, #tpu.memory_space<vmem>>, vector<16xi32>,
        %get3A_347 = arith.index_cast %mul3A_344 : i32 to index
        %get3A_348 = tpu.vector_load %arg10[%get3A_347] {strides = array<i32>} : memref<4096xi32, #tpu.memory_space<vmem>>, vector<16xi32>,
        %gather3A_349 = tpu.vector_load_idx %arg8[%get3A_346] : memref<4096xi32, #tpu.memory_space<vmem>>[vector<16xi32>], vector<16xi32>,
        %get3A_350 = arith.index_cast %mul3A_344 : i32 to index
        %get3A_351 = tpu.vector_load %arg9[%get3A_350] {strides = array<i32>} : memref<4096xi32, #tpu.memory_space<vmem>>, vector<16xi32>,
        %add3A_352 = arith.addi %get3A_351, %gather3A_349 : vector<16xi32>
        %swap3A_353 = arith.index_cast %mul3A_344 : i32 to index
        %swap3A_354 = tpu.vector_load %arg9[%swap3A_353] {strides = array<i32>} : memref<4096xi32, #tpu.memory_space<vmem>>, vector<16xi32>,
        tpu.vector_store %arg9[%swap3A_353], %add3A_352 {strides = array<i32>} : memref<4096xi32, #tpu.memory_space<vmem>>, vector<16xi32>,
        %gt3A_355 = arith.constant 0 : i32
        %gt3A_356 = vector.broadcast %gt3A_355 : i32 to vector<16xi32>
        %gt3A_357 = arith.cmpi sgt, %get3A_348, %gt3A_356 : vector<16xi32>
        tpu.vector_store_idx %arg8[%get3A_346], %get3A_348 masked %gt3A_357 {add = true} : memref<4096xi32, #tpu.memory_space<vmem>>[vector<16xi32>], vector<16xi32>, vector<16xi1>
      }
      %scan3A_30 = arith.constant 16 : i32
      %parallel_loop3A_31 = arith.constant 0 : i32
      %parallel_loop3A_32 = arith.constant 4096 : i32
      %parallel_loop3A_33 = arith.constant 16 : i32
      %parallel_loop3A_34 = arith.constant 0 : i32
      %parallel_loop3A_35 = scf.for %parallel_loop3A_57 = %parallel_loop3A_31 to %parallel_loop3A_32 step %parallel_loop3A_33 iter_args(%parallel_loop3A_58 = %parallel_loop3A_34) -> (i32)  : i32 {
        %parallel_loop3A_59 = arith.index_cast %parallel_loop3A_57 : i32 to index
        %parallel_loop3A_60 = tpu.vector_load %arg8[%parallel_loop3A_59] {strides = array<i32>} : memref<4096xi32, #tpu.memory_space<vmem>>, vector<16xi32>,
        %parallel_loop3A_61 = arith.constant true
        %parallel_loop3A_62 = vector.broadcast %parallel_loop3A_61 : i1 to vector<16xi1>
        %parallel_loop3A_63 = tpu.scan <sum>, %parallel_loop3A_60 masked %parallel_loop3A_62 : vector<16xi32>, vector<16xi1> -> vector<16xi32>
        %parallel_loop3A_64 = arith.subi %parallel_loop3A_63, %parallel_loop3A_60 : vector<16xi32>
        %parallel_loop3A_65 = vector.broadcast %parallel_loop3A_58 : i32 to vector<16xi32>
        %parallel_loop3A_66 = arith.addi %parallel_loop3A_64, %parallel_loop3A_65 : vector<16xi32>
        %parallel_loop3A_67 = arith.index_cast %parallel_loop3A_57 : i32 to index
        %parallel_loop3A_68 = tpu.vector_load %arg8[%parallel_loop3A_67] {strides = array<i32>} : memref<4096xi32, #tpu.memory_space<vmem>>, vector<16xi32>,
        tpu.vector_store %arg8[%parallel_loop3A_67], %parallel_loop3A_66 {strides = array<i32>} : memref<4096xi32, #tpu.memory_space<vmem>>, vector<16xi32>,
        %parallel_loop3A_69 = vector.extract_strided_slice %parallel_loop3A_63 {offsets = [15], sizes = [1], strides = [1]} : vector<16xi32> to vector<1xi32>
        %parallel_loop3A_70 = vector.extract %parallel_loop3A_69[0] : i32 from vector<1xi32>
        %parallel_loop3A_71 = arith.addi %parallel_loop3A_58, %parallel_loop3A_70 : i32
        scf.yield %parallel_loop3A_71 : i32
      } {sc.loop_unroll_factor = 16 : i64, sc.parallel_access}
      %dma_wait3A_36 = arith.constant 0 : i32
      %dma_wait3A_37 = tpu.memref_slice %arg3[%add3A, %dma_wait3A_36] : memref<16x4096xf32, #tpu.memory_space<hbm>> -> memref<1x4096xf32, #tpu.memory_space<hbm>>
      %dma_wait3A_38 = tpu.memref_squeeze %dma_wait3A_37 : memref<1x4096xf32, #tpu.memory_space<hbm>> -> memref<4096xf32, #tpu.memory_space<hbm>>
      %dma_wait3A_39 = arith.constant 0 : i32
      %dma_wait3A_40 = tpu.memref_slice %arg3[%add3A, %dma_wait3A_39] : memref<16x4096xf32, #tpu.memory_space<hbm>> -> memref<1x4096xf32, #tpu.memory_space<hbm>>
      %dma_wait3A_41 = tpu.memref_squeeze %dma_wait3A_40 : memref<1x4096xf32, #tpu.memory_space<hbm>> -> memref<4096xf32, #tpu.memory_space<hbm>>
      tpu.wait_dma2 semaphore(%arg14 : memref<!tpu.dma_semaphore, #tpu.memory_space<semaphore_mem>>) src(%dma_wait3A_41 : memref<4096xf32, #tpu.memory_space<hbm>>) dst(%arg7 : memref<4096xf32, #tpu.memory_space<vmem>>)
      %parallel_loop3A_42 = arith.constant 0 : i32
      %parallel_loop3A_43 = arith.constant 4096 : i32
      %parallel_loop3A_44 = arith.constant 16 : i32
      scf.for %parallel_loop3A_57 = %parallel_loop3A_42 to %parallel_loop3A_43 step %parallel_loop3A_44  : i32 {
        %parallel_loop3A_58 = arith.index_cast %parallel_loop3A_57 : i32 to index
        %parallel_loop3A_59 = tpu.vector_load %arg6[%parallel_loop3A_58] {strides = array<i32>} : memref<4096xi32, #tpu.memory_space<vmem>>, vector<16xi32>,
        %parallel_loop3A_60 = arith.index_cast %parallel_loop3A_57 : i32 to index
        %parallel_loop3A_61 = tpu.vector_load %arg7[%parallel_loop3A_60] {strides = array<i32>} : memref<4096xf32, #tpu.memory_space<vmem>>, vector<16xf32>,
        %parallel_loop3A_62 = arith.index_cast %parallel_loop3A_57 : i32 to index
        %parallel_loop3A_63 = tpu.vector_load %arg9[%parallel_loop3A_62] {strides = array<i32>} : memref<4096xi32, #tpu.memory_space<vmem>>, vector<16xi32>,
        %parallel_loop3A_64 = tpu.vector_load_idx %arg8[%parallel_loop3A_59] : memref<4096xi32, #tpu.memory_space<vmem>>[vector<16xi32>], vector<16xi32>,
        %parallel_loop3A_65 = arith.addi %parallel_loop3A_64, %parallel_loop3A_63 : vector<16xi32>
        tpu.vector_store_idx %arg12[%parallel_loop3A_65], %parallel_loop3A_61 : memref<4096xf32, #tpu.memory_space<vmem>>[vector<16xi32>], vector<16xf32>,
        tpu.vector_store_idx %arg11[%parallel_loop3A_65], %parallel_loop3A_59 : memref<4096xi32, #tpu.memory_space<vmem>>[vector<16xi32>], vector<16xi32>,
      } {sc.loop_unroll_factor = 16 : i64, sc.parallel_access}
      %dma_start3A_45 = arith.constant 0 : i32
      %dma_start3A_46 = tpu.memref_slice %arg4[%add3A, %dma_start3A_45] : memref<16x4096xf32, #tpu.memory_space<hbm>> -> memref<1x4096xf32, #tpu.memory_space<hbm>>
      %dma_start3A_47 = tpu.memref_squeeze %dma_start3A_46 : memref<1x4096xf32, #tpu.memory_space<hbm>> -> memref<4096xf32, #tpu.memory_space<hbm>>
      %dma_start3A_48 = arith.constant 0 : i32
      %dma_start3A_49 = tpu.memref_slice %arg4[%add3A, %dma_start3A_48] : memref<16x4096xf32, #tpu.memory_space<hbm>> -> memref<1x4096xf32, #tpu.memory_space<hbm>>
      %dma_start3A_50 = tpu.memref_squeeze %dma_start3A_49 : memref<1x4096xf32, #tpu.memory_space<hbm>> -> memref<4096xf32, #tpu.memory_space<hbm>>
      tpu.enqueue_dma source(%arg12 : memref<4096xf32, #tpu.memory_space<vmem>>) target(%dma_start3A_50 : memref<4096xf32, #tpu.memory_space<hbm>>) target_semaphore(%arg15 : memref<!tpu.dma_semaphore, #tpu.memory_space<semaphore_mem>>)
      "tpu.region"() ({
        %run_scoped3A = tpu.sem_alloc : memref<!tpu.dma_semaphore, #tpu.memory_space<semaphore_mem>>
        %dma_start3A_57 = arith.constant 0 : i32
        %dma_start3A_58 = tpu.memref_slice %arg5[%add3A, %dma_start3A_57] : memref<16x4096xi32, #tpu.memory_space<hbm>> -> memref<1x4096xi32, #tpu.memory_space<hbm>>
        %dma_start3A_59 = tpu.memref_squeeze %dma_start3A_58 : memref<1x4096xi32, #tpu.memory_space<hbm>> -> memref<4096xi32, #tpu.memory_space<hbm>>
        %dma_start3A_60 = arith.constant 0 : i32
        %dma_start3A_61 = tpu.memref_slice %arg5[%add3A, %dma_start3A_60] : memref<16x4096xi32, #tpu.memory_space<hbm>> -> memref<1x4096xi32, #tpu.memory_space<hbm>>
        %dma_start3A_62 = tpu.memref_squeeze %dma_start3A_61 : memref<1x4096xi32, #tpu.memory_space<hbm>> -> memref<4096xi32, #tpu.memory_space<hbm>>
        tpu.enqueue_dma source(%arg11 : memref<4096xi32, #tpu.memory_space<vmem>>) target(%dma_start3A_62 : memref<4096xi32, #tpu.memory_space<hbm>>) target_semaphore(%run_scoped3A : memref<!tpu.dma_semaphore, #tpu.memory_space<semaphore_mem>>)
        %dma_wait3A_63 = arith.constant 0 : i32
        %dma_wait3A_64 = tpu.memref_slice %arg5[%add3A, %dma_wait3A_63] : memref<16x4096xi32, #tpu.memory_space<hbm>> -> memref<1x4096xi32, #tpu.memory_space<hbm>>
        %dma_wait3A_65 = tpu.memref_squeeze %dma_wait3A_64 : memref<1x4096xi32, #tpu.memory_space<hbm>> -> memref<4096xi32, #tpu.memory_space<hbm>>
        %dma_wait3A_66 = arith.constant 0 : i32
        %dma_wait3A_67 = tpu.memref_slice %arg5[%add3A, %dma_wait3A_66] : memref<16x4096xi32, #tpu.memory_space<hbm>> -> memref<1x4096xi32, #tpu.memory_space<hbm>>
        %dma_wait3A_68 = tpu.memref_squeeze %dma_wait3A_67 : memref<1x4096xi32, #tpu.memory_space<hbm>> -> memref<4096xi32, #tpu.memory_space<hbm>>
        tpu.wait_dma2 semaphore(%run_scoped3A : memref<!tpu.dma_semaphore, #tpu.memory_space<semaphore_mem>>) src(%arg11 : memref<4096xi32, #tpu.memory_space<vmem>>) dst(%dma_wait3A_68 : memref<4096xi32, #tpu.memory_space<hbm>>)
        tpu.yield
      }) : () -> ()
      %dma_wait3A_51 = arith.constant 0 : i32
      %dma_wait3A_52 = tpu.memref_slice %arg4[%add3A, %dma_wait3A_51] : memref<16x4096xf32, #tpu.memory_space<hbm>> -> memref<1x4096xf32, #tpu.memory_space<hbm>>
      %dma_wait3A_53 = tpu.memref_squeeze %dma_wait3A_52 : memref<1x4096xf32, #tpu.memory_space<hbm>> -> memref<4096xf32, #tpu.memory_space<hbm>>
      %dma_wait3A_54 = arith.constant 0 : i32
      %dma_wait3A_55 = tpu.memref_slice %arg4[%add3A, %dma_wait3A_54] : memref<16x4096xf32, #tpu.memory_space<hbm>> -> memref<1x4096xf32, #tpu.memory_space<hbm>>
      %dma_wait3A_56 = tpu.memref_squeeze %dma_wait3A_55 : memref<1x4096xf32, #tpu.memory_space<hbm>> -> memref<4096xf32, #tpu.memory_space<hbm>>
      tpu.wait_dma2 semaphore(%arg15 : memref<!tpu.dma_semaphore, #tpu.memory_space<semaphore_mem>>) src(%arg12 : memref<4096xf32, #tpu.memory_space<vmem>>) dst(%dma_wait3A_56 : memref<4096xf32, #tpu.memory_space<hbm>>)
    } else {
    }
    return
  }
}

</mosaic_0001>

<sc_bundles>
// kernel: kernel.3.cloned.1.call-start
scs
__scs_entry_jumppad:
0x0: {  	(pc) =	sbr.rel $0x88, $3  }
0x1: {  	(tag) =	ssettag $0x0;
	lr =	simm.s32 $0x1  }
0x2: {  	[smem:$0x3F9F] =	sst lr;
	_ =	strace $0xD0000000  }
0x3: {  	_ = 	snop  }
0x4: {  	_ = 	snop  }
0x5: {  	_ = 	snop  }
0x6: {  	_ = 	snop  }
0x7: {  	_ = 	snop  }
__scs_overlays_trampoline_lowered:
0x8: {  	[smem:$0x3FAE] =	sst s0  }
0x9: {  	[smem:$0x3FAF] =	sst s1  }
0xa: {  	[smem:$0x3FB0] =	sst s2  }
0xb: {  	[smem:$0x3FB1] =	sst s3  }
0xc: {  	[smem:$0x3FB2] =	sst s4  }
0xd: {  	[smem:$0x3FB3] =	sst s5  }
0xe: {  	[smem:$0x3FB4] =	sst s6  }
0xf: {  	[smem:$0x3FB5] =	sst s7  }
0x10: {  	[smem:$0x3FB6] =	sst s8  }
0x11: {  	[smem:$0x3FB7] =	sst s9;
	s0 =	simm.s32 @!p0 $0x0  }
0x12: {  	s1 =	sld [smem:$0x3F9D];
	s0 =	simm.s32 @p0 $0x1  }
0x13: {  	[smem:$0x3FB8] =	sst s0;
	s0 =	simm.s32 @!p1 $0x0  }
0x14: {  	s2 =	sld [smem:$0x3F9C];
	s0 =	simm.s32 @p1 $0x1  }
0x15: {  	[smem:$0x3FB9] =	sst s0;
	s0 =	simm.s32 @!p2 $0x0  }
0x16: {  	s3 =	sld [smem:$0x3FDB];
	s0 =	simm.s32 @p2 $0x1  }
0x17: {  	s4 =	simm.s32 $0x1BF5;
	[smem:$0x3FBB] =	sst s0  }
0x18: {  	s0 =	sld [smem:$0x3F9E];
	_ =	swait.ge [sflag:s4], $0x0  }
0x19: {  	s7 =	sld [smem:$0x3F9F]  }
0x1a: {  	s8 =	sadd.s32 $0xFFFFE003, lr  }
0x1b: {  	s9 =	sadd.s32 $0xFFFFFEF7, lr;
	s5 =	simm.s32 $0xFFFFFFFF;
	p2 =	slt.u32 s8, $0xFFFFF086  }
0x1c: {  	p1 =	slt.u32 s9, $0xF7A;
	s5 =	simm.s32 @!p2 $0x0  }
0x1d: {  	s5 =	simm.s32 @p1 $0x1;
	p0 =	seq.s32 s7, s2  }
0x1e: {  	s7 =	smul.u32 @!p0 $0xF7A, s2;
	p2 =	seq.s32 @!p0 s5, $0x0  }
0x1f: {  	s9 =	smul.u32 $0xF7A, s1;
	s8 =	simm.s32 @!p0 $0x1BF5;
	p2 =	por !p2, p0  }
0x20: {  	[sflag:s8] =	ssyncset.s32 @!p0 $0xFFFFF086;
	s6 =	sadd.s32 @!p0 s3, s7;
	s7 =	simm.s32 @!p0 $0x108  }
0x21: {  	s3 =	sadd.s32 s3, s9;
	s6 =	sadd.s32 @!p0 $0x88, s6;
	s7 =	simm.s32 @p2 $0x1082  }
0x22: {  	[simem:s7], [sflag:s8] =	dma.local @!p0 [hbm:s6], $0xF7A  }
0x23: {  	s9 =	sor.u32 $0xD0000000, s2;
	s6 =	simm.s32 $0x108;
	_ =	swait.ge @!p0 [sflag:s8], $0x0  }
0x24: {  	s3 =	sadd.s32 $0x88, s3;
	s6 =	simm.s32 @!p1 $0x1082;
	[sflag:s4] =	ssyncset.s32 $0xFFFFF086  }
0x25: {  	[simem:s6], [sflag:s4] =	dma.local [hbm:s3], $0xF7A  }
0x26: {  	[smem:$0x3F9F] =	sst s1;
	(tag) =	ssettag s2;
	_ =	strace s9  }
0x27: {  	s1 =	sld [smem:$0x3FAF]  }
0x28: {  	s2 =	sld [smem:$0x3FB0]  }
0x29: {  	s4 =	sld [smem:$0x3FB2]  }
0x2a: {  	p0 =	seq.s32 s5, $0x0;
	s5 =	sld [smem:$0x3FB3]  }
0x2b: {  	s6 =	sld [smem:$0x3FB4]  }
0x2c: {  	s7 =	sld [smem:$0x3FB5]  }
0x2d: {  	s3 =	simm.s32 $0x108;
	s8 =	sld [smem:$0x3FB6]  }
0x2e: {  	s3 =	simm.s32 @!p0 $0x1082;
	s9 =	sld [smem:$0x3FB7]  }
0x2f: {  	lr =	sadd.s32 s0, s3;
	s0 =	sld [smem:$0x3FAE]  }
0x30: {  	s3 =	sld [smem:$0x3FB1]  }
0x31: {  	[smem:$0x3FBA] =	sst s10  }
0x32: {  	s10 =	sld [smem:$0x3FB8];
	_ =	sdelay $0x3  }
0x33: {  	p0 =	seq.s32 s10, $0x1;
	s10 =	sld [smem:$0x3FBA];
	_ =	sdelay $0x3  }
0x34: {  	[smem:$0x3FBA] =	sst s10  }
0x35: {  	s10 =	sld [smem:$0x3FB9];
	_ =	sdelay $0x3  }
0x36: {  	p1 =	seq.s32 s10, $0x1;
	s10 =	sld [smem:$0x3FBA];
	_ =	sdelay $0x3  }
0x37: {  	[smem:$0x3FBA] =	sst s10  }
0x38: {  	s10 =	sld [smem:$0x3FBB]  }
0x39: {  	_ = 	snop;
	(pc) =	sbr.ind lr, $3  }
0x3a: {  	_ = 	snop  }
0x3b: {  	_ = 	snop  }
0x3c: {  	p2 =	seq.s32 s10, $0x1;
	s10 =	sld [smem:$0x3FBA]  }
0x3d: {  	_ =	shalt  }
0x3e: {  	_ =	shalt  }
0x3f: {  	_ =	shalt  }
0x40: {  	_ =	shalt  }
0x41: {  	_ =	shalt  }
0x42: {  	_ =	shalt  }
0x43: {  	_ =	shalt  }
0x44: {  	_ =	shalt  }
0x45: {  	_ =	shalt  }
0x46: {  	_ =	shalt  }
0x47: {  	_ =	shalt  }
0x48: {  	_ =	shalt  }
0x49: {  	_ =	shalt  }
0x4a: {  	_ =	shalt  }
0x4b: {  	_ =	shalt  }
0x4c: {  	_ =	shalt  }
0x4d: {  	_ =	shalt  }
0x4e: {  	_ =	shalt  }
0x4f: {  	_ =	shalt  }
0x50: {  	_ =	shalt  }
0x51: {  	_ =	shalt  }
0x52: {  	_ =	shalt  }
0x53: {  	_ =	shalt  }
0x54: {  	_ =	shalt  }
0x55: {  	_ =	shalt  }
0x56: {  	_ =	shalt  }
0x57: {  	_ =	shalt  }
0x58: {  	_ =	shalt  }
0x59: {  	_ =	shalt  }
0x5a: {  	_ =	shalt  }
0x5b: {  	_ =	shalt  }
0x5c: {  	_ =	shalt  }
0x5d: {  	_ =	shalt  }
0x5e: {  	_ =	shalt  }
0x5f: {  	_ =	shalt  }
0x60: {  	_ =	shalt  }
0x61: {  	_ =	shalt  }
0x62: {  	_ =	shalt  }
0x63: {  	_ =	shalt  }
0x64: {  	_ =	shalt  }
0x65: {  	_ =	shalt  }
0x66: {  	_ =	shalt  }
0x67: {  	_ =	shalt  }
0x68: {  	_ =	shalt  }
0x69: {  	_ =	shalt  }
0x6a: {  	_ =	shalt  }
0x6b: {  	_ =	shalt  }
0x6c: {  	_ =	shalt  }
0x6d: {  	_ =	shalt  }
0x6e: {  	_ =	shalt  }
0x6f: {  	_ =	shalt  }
0x70: {  	_ =	shalt  }
0x71: {  	_ =	shalt  }
0x72: {  	_ =	shalt  }
0x73: {  	_ =	shalt  }
0x74: {  	_ =	shalt  }
0x75: {  	_ =	shalt  }
0x76: {  	_ =	shalt  }
0x77: {  	_ =	shalt  }
0x78: {  	_ =	shalt  }
0x79: {  	_ =	shalt  }
0x7a: {  	_ =	shalt  }
0x7b: {  	_ =	shalt  }
0x7c: {  	_ =	shalt  }
0x7d: {  	_ =	shalt  }
0x7e: {  	_ =	shalt  }
0x7f: {  	_ =	shalt  }
0x80: {  	_ =	shalt  }
0x81: {  	_ =	shalt  }
0x82: {  	_ =	shalt  }
0x83: {  	_ =	shalt  }
0x84: {  	_ =	shalt  }
0x85: {  	_ =	shalt  }
0x86: {  	_ =	shalt  }
0x87: {  	_ =	shalt  }
.Lfunc_end0:
.L_simem_size_0:
called_computation_lowered:
.L_overlay_start_0:
0x88: {  	s2 =	sld [smem:$0x3FD9]  }
0x89: {  	s3 =	sld [smem:$0x3FFE];
	_ =	sdelay $0x1  }
0x8a: {  	s1 =	srdreg.scid  }
0x8b: {  	s0 =	sand.u32 $0x1, s1  }
0x8c: {  	s15 =	sshll.u32 s0, $0xA;
	s2 =	sadd.s32 s3, s2  }
0x8d: {  	s2 =	sadd.s32 s2, s15  }
0x8e: {  	[smem:$0x3FC6] =	sst s2  }
0x8f: {  	_ = 	snop  }
0x90: {  	s2 =	sld [smem:$0x3FD0];
	_ =	sdelay $0x1  }
0x91: {  	s16 =	sld [smem:$0x3FC9]  }
0x92: {  	s5 =	simm.s32 $0xA;
	s6 =	simm.s32 $0x10;
	s4 =	sld [smem:$0x3FC8]  }
0x93: {  	[smem:s6], [sflag:s5] =	dma.local [hbm:s2], $0x1  }
0x94: {  	_ =	swait.eq [sflag:s5], $0x1  }
0x95: {  	[sflag:s5] =	ssyncset.done $0x0  }
0x96: {  	s17 =	sld [smem:$0x10];
	[sflag:s5] =	ssyncadd.s32 $0xFFFFFFFF  }
0x97: {  	s18 =	sld [smem:$0x11];
	(tm) =	ssettm $0x1  }
0x98: {  	s19 =	sld [smem:$0x3FFB];
	_ =	sdelay $0x3  }
0x99: {  	_ =	strace s19  }
0x9a: {  	s6 =	sld [smem:$0x3FFC];
	_ =	sdelay $0x3  }
0x9b: {  	_ =	strace s6  }
0x9c: {  	s6 =	sld [smem:$0x3FFD];
	_ =	sdelay $0x3  }
0x9d: {  	_ =	strace s6  }
0x9e: {  	_ =	strace $0x8FFFFFFF  }
0x9f: {  	s20 =	sld [smem:$0x3FDB];
	_ =	sdelay $0x1  }
0xa0: {  	s7 =	simm.s32 $_scs_section_size  }
0xa1: {  	s8 =	simm.s32 $_size__tile_overlayer_lowered;
	s9 =	simm.s32 $_tile_overlayer_lowered  }
0xa2: {  	s23 =	simm.s32 $0x1BFF;
	s22 =	sshll.u32 s9, $0x1;
	s6 =	sadd.s32 s7, s20  }
0xa3: {  	s10 =	simm.s32 $0x0;
	s21 =	sshll.u32 s8, $0x1;
	s8 =	sadd.s32 s22, s6  }
0xa4: {  	[timem:s10], [sflag:s23] =	dma.local [hbm:s8], s21  }
0xa5: {  	_ =	swait.ge [sflag:s23], s21  }
0xa6: {  	s7 =	ssub.s32 $0x0, s21;
	[sflag:s23] =	ssyncset.done $0x0  }
0xa7: {  	[sflag:s23] =	ssyncadd.s32 s7;
	_ =	sdelay $0x1  }
0xa8: {  	s24 =	simm.s32 $0x1B8B  }
0xa9: {  	_ =	swait.ge [sflag:s24], $0x1  }
0xaa: {  	[sflag:s24] =	ssyncset.done $0x0  }
0xab: {  	s25 =	simm.s32 $0x1B8E;
	[sflag:s24] =	ssyncadd.s32 $0xFFFFFFFF  }
0xac: {  	s26 =	simm.s32 $execute0_lowered;
	[smem:$0x3FD2] =	sst s25  }
0xad: {  	s7 =	sshll.u32 s26, $0x1;
	_ =	strace $0x80000046;
	[dreg:$0x1] =	wrdreg $0xFFFFFFFF  }
0xae: {  	s28 =	simm.s32 $_size_execute0_lowered;
	s6 =	sadd.s32 s6, s7;
	[dreg:$0x0] =	wrdreg $0x0  }
0xaf: {  	s7 =	sshll.u32 s28, $0x1;
	[dreg:$0x2] =	wrdreg s6  }
0xb0: {  	[dreg:$0x3] =	wrdreg s7  }
0xb1: {  	[dreg:$0x4] =	wrdreg $0xC0  }
0xb2: {  	_ =	task [dreg:s10], $0x5FFFF  }
0xb3: {  	[dreg:$0x1] =	wrdreg $0xFFFFFFFF  }
0xb4: {  	[dreg:$0x0] =	wrdreg $0x60  }
0xb5: {  	[dreg:$0x2] =	wrdreg s4  }
0xb6: {  	[dreg:$0x3] =	wrdreg s16  }
0xb7: {  	[dreg:$0x4] =	wrdreg s17  }
0xb8: {  	[dreg:$0x5] =	wrdreg s18  }
0xb9: {  	[dreg:$0x6] =	wrdreg $0x9  }
0xba: {  	_ =	task.clear_ibuf [dreg:s10], $0x7FFFF;
	_ =	strace $0x90000046  }
0xbb: {  	s29 =	simm.s32 $0x9;
	_ =	strace $0x80000048  }
0xbc: {  	_ =	swait.ge [sflag:s29], $0x1  }
0xbd: {  	[sflag:s29] =	ssyncadd.s32 $0xFFFFFFFF  }
0xbe: {  	_ =	strace $0x90000048  }
0xbf: {  	_ =	sfence  }
0xc0: {  	s30 =	sld [smem:$0x0];
	_ =	sdelay $0x2  }
0xc1: {  	s31 =	sshll.u32 s1, $0xD;
	s1 =	sshrl.u32 s1, $0x2  }
0xc2: {  	s3 =	sand.u32 $0x4000, s31;
	s1 =	sadd.s32 s1, s30  }
0xc3: {  	s0 =	sor.u32 s3, s0;
	s1 =	sshll.u32 s1, $0x11  }
0xc4: {  	s0 =	sor.u32 s1, s0  }
0xc5: {  	s0 =	sadd.s32 $0x8F2B, s0  }
0xc6: {  	[sflag:s0] =	ssyncadd.remote.s32 $0x1  }
0xc7: {  	_ =	sfence.sel $0xFFFF  }
0xc8: {  	[dreg:$0x0] =	wrdreg $0xFFFFFFFF;
	(pc) =	sbr.abs _section_cstart, $3  }
0xc9: {  	[dreg:$0x1] =	wrdreg $0xFFFFFFFF  }
0xca: {  	_ =	task.clear_ibuf [dreg:s10], $0x2FFFF;
	_ =	strace $0x9FFFFFFF  }
0xcb: {  	(tm) =	ssettm $0x7FFFFFFF  }
tec
execute0_lowered:
.L_overlay_start_1:
0x0: {  	(tag) =	ssettag $0x1  }
0x1: {  	s6 =	rddreg [dreg:$0x0]  }
0x2: {  	s5 =	rddreg [dreg:$0x1]  }
0x3: {  	s3 =	rddreg [dreg:$0x2]  }
0x4: {  	s4 =	rddreg [dreg:$0x3];
	s1 =	simm.s32 $0x0  }
0x5: {  	[smem:$0x7FF] =	sst s1  }
0x6: {  	s0 =	rddreg [dreg:$0x4];
	v0 =	vlaneseq.u32;
	_ =	strace $0x80000047  }
0x7: {  	(xrf1) =	vunique.msk.u32 $0xffff, v0;
	_ =	sdelay $0x7  }
0x8: {  	s2 =	stileid.u32  }
0x9: {  	p0 =	sgt.u32 s2, $0x7  }
.Ltmp0:
0xa: {  	_ = 	snop;
	(pc) =	sbr.rel @p0 .LBB2_13-.Ltmp0, $2  }
0xb: {  	_ =	sdelay $0x2  }
0xc: {  	_, v0, _ =	vpop (xrf1)  }
0xd: {  	s7 =	srdreg.scid  }
0xe: {  	s8 =	sshll.u32 s2, $0x5;
	s9 =	sshll.u32 s2, $0xA;
	s11 =	simm.s32 $0x1  }
0xf: {  	s12 =	simm.s32 $0x2000;
	s13 =	simm.s32 $0x2;
	s14 =	simm.s32 $0x6000  }
0x10: {  	s15 =	simm.s32 $0x5000;
	s16 =	simm.s32 $0x4;
	s17 =	simm.s32 $0x3  }
0x11: {  	s18 =	simm.s32 $0x0;
	s7 =	sand.u32 $0x1, s7;
	s8 =	sand.u32 $0x60, s8  }
0x12: {  	s9 =	sand.u32 $0x1000, s9;
	s10 =	sshll.u32 s7, $0x4;
	s7 =	ssub.s32 $0x2, s7  }
0x13: {  	s8 =	sor.u32 s10, s8;
	s31 =	sshrl.u32 s7, $0x1;
	s10 =	simm.s32 $0x1000  }
0x14: {  	s8 =	sor.u32 s9, s8;
	s7 =	ssub.s32 s7, s31;
	s9 =	simm.s32 $0x400  }
0x15: {  	s3 =	sadd.s32 s3, s8;
	s4 =	sadd.s32 s4, s8;
	s5 =	sadd.s32 s5, s8  }
0x16: {  	v1 =	vimm.s32 $0x0;
	s6 =	sadd.s32 s6, s8;
	s7 =	smax.u32 s7, $0x1;
	s8 =	simm.s32 $0x80  }
.LBB2_2:
0x17: {  	[tilespmem:s1], [sflag:$0x1] =	stream.strided.gather [hbm4b:s6+s8], $0x1000, s9, s8, $0x38;
	[tilespmem:$0x7000] =	vst v63  }
0x18: {  	s19 =	simm.s32 $0x2080  }
0x19: {  	[tilespmem:s10], [sflag:$0x2] =	stream.strided.gather [hbm4b:s5+s8], $0x1000, s9, s8, $0x38;
	[tilespmem:$0x7000] =	vst v63  }
0x1a: {  	[tilespmem:s19+$0xFFFFFF80] =	vst v1  }
0x1b: {  	[tilespmem:s19+$0x70] =	vst v1  }
0x1c: {  	[tilespmem:s19+$0x60] =	vst v1  }
0x1d: {  	[tilespmem:s19+$0x50] =	vst v1  }
0x1e: {  	[tilespmem:s19+$0x40] =	vst v1  }
0x1f: {  	[tilespmem:s19+$0x30] =	vst v1  }
0x20: {  	[tilespmem:s19+$0x20] =	vst v1  }
0x21: {  	[tilespmem:s19+$0x10] =	vst v1  }
0x22: {  	[tilespmem:s19+$0x0] =	vst v1  }
0x23: {  	[tilespmem:s19+$0xFFFFFFF0] =	vst v1  }
0x24: {  	[tilespmem:s19+$0xFFFFFFE0] =	vst v1  }
0x25: {  	[tilespmem:s19+$0xFFFFFFD0] =	vst v1  }
0x26: {  	[tilespmem:s19+$0xFFFFFFC0] =	vst v1  }
0x27: {  	[tilespmem:s19+$0xFFFFFFB0] =	vst v1  }
0x28: {  	s20 =	simm.s32 $0x0;
	[tilespmem:s19+$0xFFFFFFA0] =	vst v1  }
.LBB2_3:
0x29: {  	s20 =	sadd.s32 $0x100, s20;
	[tilespmem:s19+$0xFFFFFF90] =	vst v1;
	s19 =	sadd.s32 $0x100, s19  }
0x2a: {  	[tilespmem:s19+$0xFFFFFF80] =	vst v1;
	p0 =	slt.u32 s20, $0xF00  }
0x2b: {  	[tilespmem:s19+$0x70] =	vst v1  }
0x2c: {  	[tilespmem:s19+$0x60] =	vst v1  }
0x2d: {  	[tilespmem:s19+$0x50] =	vst v1  }
0x2e: {  	[tilespmem:s19+$0x40] =	vst v1  }
0x2f: {  	[tilespmem:s19+$0x30] =	vst v1  }
0x30: {  	[tilespmem:s19+$0x20] =	vst v1  }
0x31: {  	[tilespmem:s19+$0x10] =	vst v1  }
0x32: {  	[tilespmem:s19+$0x0] =	vst v1  }
0x33: {  	[tilespmem:s19+$0xFFFFFFF0] =	vst v1  }
.Ltmp1:
0x34: {  	[tilespmem:s19+$0xFFFFFFE0] =	vst v1;
	(pc) =	sbr.rel @p0 .LBB2_3-.Ltmp1, $4  }
0x35: {  	[tilespmem:s19+$0xFFFFFFD0] =	vst v1  }
0x36: {  	[tilespmem:s19+$0xFFFFFFC0] =	vst v1  }
0x37: {  	[tilespmem:s19+$0xFFFFFFB0] =	vst v1  }
0x38: {  	[tilespmem:s19+$0xFFFFFFA0] =	vst v1  }
0x39: {  	[tilespmem:s19+$0xFFFFFF90] =	vst v1  }
0x3a: {  	_ =	swait.ge [sflag:s11], $0x1000  }
0x3b: {  	[sflag:s11] =	ssyncset.done $0x0  }
0x3c: {  	s31 =	simm.s32 $0x80;
	[sflag:s11] =	ssyncadd.s32 $0xFFFFF000  }
0x3d: {  	v2 =	vld [tilespmem:s31+$0xFFFFFF80];
	_ =	sdelay $0x1  }
0x3e: {  	v3 =	vld [tilespmem:s31+$0x40];
	_ =	sdelay $0x1  }
0x3f: {  	v4 =	vld [tilespmem:s31+$0xFFFFFFC0]  }
0x40: {  	v5 =	vld [tilespmem:s31+$0xFFFFFFD0];
	(xrf1) =	vunique.msk.u32 $0xffff, v2  }
0x41: {  	v2 =	vld [tilespmem:s31+$0xFFFFFFE0]  }
0x42: {  	v6 =	vld [tilespmem:s31+$0xFFFFFFF0];
	(xrf1) =	vunique.msk.u32 $0xffff, v3  }
0x43: {  	v7 =	vld [tilespmem:s31+$0x0]  }
0x44: {  	v3 =	vld [tilespmem:s31+$0x10];
	(xrf1) =	vunique.msk.u32 $0xffff, v4  }
0x45: {  	v4 =	vld [tilespmem:s31+$0xFFFFFFB0];
	(xrf1) =	vunique.msk.u32 $0xffff, v5  }
0x46: {  	v5 =	vld [tilespmem:s31+$0xFFFFFFA0];
	(xrf1) =	vunique.msk.u32 $0xffff, v2  }
0x47: {  	(xrf1) =	vunique.msk.u32 $0xffff, v6  }
0x48: {  	v2 =	vld [tilespmem:s31+$0x20];
	(xrf1) =	vunique.msk.u32 $0xffff, v7  }
0x49: {  	(xrf1) =	vunique.msk.u32 $0xffff, v3;
	v3 =	vld [tilespmem:s31+$0x30]  }
0x4a: {  	(xrf1) =	vunique.msk.u32 $0xffff, v4;
	v4 =	vld [tilespmem:s31+$0x50]  }
0x4b: {  	(xrf1) =	vunique.msk.u32 $0xffff, v5;
	v5 =	vld [tilespmem:s31+$0x60];
	_ =	sdelay $0x1  }
0x4c: {  	(xrf1) =	vunique.msk.u32 $0xffff, v2  }
0x4d: {  	(xrf1) =	vunique.msk.u32 $0xffff, v3;
	_, v3, vm0 =	vpop (xrf1)  }
0x4e: {  	v2 =	vld [tilespmem:s31+$0xFFFFFF90];
	(xrf1) =	vunique.msk.u32 $0xffff, v4;
	v3 =	vsub.s32 v3, v0  }
0x4f: {  	s19 =	simm.s32 $0x3080;
	(xrf1) =	vunique.msk.u32 $0xffff, v5;
	_, v5, vm1 =	vpop (xrf1);
	v4 =	vadd.s32 $0x1, v3  }
0x50: {  	v6 =	vld [tilespmem:s31+$0x70];
	[tilespmem:s19+$0xFFFFFF80] =	vst v3;
	v3 =	vsub.s32 v5, v0  }
0x51: {  	[tilespmem:s19+$0x40] =	vst v3;
	v3 =	vadd.s32 $0x1, v3  }
0x52: {  	v3 =	vnsel vm1, $0x0, v3  }
0x53: {  	(xrf1) =	vunique.msk.u32 $0xffff, v2;
	v2 =	vnsel vm0, $0x0, v4;
	_, v4, vm0 =	vpop (xrf1)  }
0x54: {  	s22 =	simm.s32 $0x4080;
	v4 =	vsub.s32 v4, v0;
	_, v5, vm2 =	vpop (xrf1)  }
0x55: {  	(xrf1) =	vunique.msk.u32 $0xffff, v6;
	[tilespmem:s22+$0xFFFFFF80] =	vst v2;
	v2 =	vadd.s32 $0x1, v4;
	v5 =	vsub.s32 v5, v0;
	_, v6, vm1 =	vpop (xrf1)  }
0x56: {  	[tilespmem:s22+$0x40] =	vst v3;
	v2 =	vnsel vm0, $0x0, v2;
	v7 =	vadd.s32 $0x1, v5;
	_, v3, vm0 =	vpop (xrf1)  }
0x57: {  	[tilespmem:s19+$0xFFFFFFC0] =	vst v4;
	v4 =	vnsel vm2, $0x0, v7;
	v9 =	vsub.s32 v3, v0;
	_, v3, vm2 =	vpop (xrf1)  }
0x58: {  	v7 =	vsub.s32 v3, v0;
	_, v3, vm3 =	vpop (xrf1)  }
0x59: {  	v8 =	vsub.s32 v6, v0;
	v3 =	vsub.s32 v3, v0  }
0x5a: {  	v12 =	vadd.s32 $0x1, v3  }
0x5b: {  	[tilespmem:s19+$0xFFFFFFD0] =	vst v5;
	v6 =	vadd.s32 $0x1, v8  }
0x5c: {  	[tilespmem:s22+$0xFFFFFFC0] =	vst v2;
	v6 =	vnsel vm1, $0x0, v6;
	v5 =	vadd.s32 $0x1, v9;
	v2 =	vadd.s32 $0x1, v7;
	_, v10, vm1 =	vpop (xrf1)  }
0x5d: {  	s23 =	simm.s32 $0x0;
	[tilespmem:s19+$0xFFFFFFE0] =	vst v8;
	v5 =	vnsel vm0, $0x0, v5;
	v11 =	vsub.s32 v10, v0;
	v2 =	vnsel vm2, $0x0, v2;
	_, v8, vm0 =	vpop (xrf1)  }
0x5e: {  	s24 =	simm.s32 $0x180;
	s25 =	simm.s32 $0x3080;
	s20 =	simm.s32 $0x4080;
	[tilespmem:s22+$0xFFFFFFD0] =	vst v4;
	v8 =	vsub.s32 v8, v0;
	v10 =	vadd.s32 $0x1, v11;
	v4 =	vnsel vm3, $0x0, v12;
	_, v12, vm2 =	vpop (xrf1)  }
.LBB2_5:
0x5f: {  	v13 =	vld [tilespmem:s24+$0xFFFFFF80];
	s23 =	sadd.s32 $0x100, s23;
	v14 =	vadd.s32 $0x1, v8;
	v10 =	vnsel vm1, $0x0, v10;
	[tilespmem:s19+$0xFFFFFFF0] =	vst v9;
	v9 =	vsub.s32 v12, v0;
	s22 =	sadd.s32 $0x100, s22;
	s25 =	sadd.s32 $0x100, s25;
	_, v12, vm1 =	vpop (xrf1)  }
0x60: {  	v15 =	vld [tilespmem:s24+$0xFFFFFFD0];
	p0 =	slt.u32 s23, $0xF00;
	[tilespmem:s19+$0xFFFFFFA0] =	vst v8;
	v8 =	vnsel vm0, $0x0, v14;
	v14 =	vadd.s32 $0x1, v9;
	v12 =	vsub.s32 v12, v0;
	_, v16, vm0 =	vpop (xrf1)  }
0x61: {  	v17 =	vld [tilespmem:s24+$0xFFFFFFC0];
	[tilespmem:s19+$0xFFFFFFB0] =	vst v11;
	v11 =	vnsel vm2, $0x0, v14;
	v14 =	vadd.s32 $0x1, v12;
	v16 =	vsub.s32 v16, v0;
	_, v18, vm2 =	vpop (xrf1)  }
0x62: {  	v19 =	vld [tilespmem:s24+$0x40];
	[tilespmem:s19+$0x0] =	vst v7;
	v7 =	vnsel vm1, $0x0, v14;
	v14 =	vadd.s32 $0x1, v16;
	v18 =	vsub.s32 v18, v0;
	_, v20, vm1 =	vpop (xrf1)  }
0x63: {  	v21 =	vld [tilespmem:s24+$0x70];
	v20 =	vsub.s32 v20, v0;
	[tilespmem:s19+$0x50] =	vst v16;
	v14 =	vnsel vm0, $0x0, v14;
	v16 =	vadd.s32 $0x1, v18;
	_, v22, vm0 =	vpop (xrf1)  }
0x64: {  	v23 =	vld [tilespmem:s24+$0x60];
	(xrf1) =	vunique.msk.u32 $0xffff, v13;
	[tilespmem:s19+$0xFFFFFF90] =	vst v20;
	v13 =	vadd.s32 $0x1, v20;
	v16 =	vnsel vm2, $0x0, v16  }
0x65: {  	v20 =	vld [tilespmem:s24+$0xFFFFFFE0];
	v13 =	vnsel vm1, $0x0, v13;
	[tilespmem:s20+$0xFFFFFFE0] =	vst v6;
	v6 =	vsub.s32 v22, v0  }
0x66: {  	v22 =	vld [tilespmem:s24+$0xFFFFFFF0];
	[tilespmem:s19+$0x60] =	vst v18;
	v18 =	vadd.s32 $0x1, v6  }
0x67: {  	v24 =	vld [tilespmem:s24+$0x0];
	(xrf1) =	vunique.msk.u32 $0xffff, v19;
	[tilespmem:s19+$0x70] =	vst v6;
	v6 =	vnsel vm0, $0x0, v18  }
0x68: {  	v18 =	vld [tilespmem:s24+$0x10];
	(xrf1) =	vunique.msk.u32 $0xffff, v17;
	[tilespmem:s20+$0xFFFFFF90] =	vst v13  }
0x69: {  	v13 =	vld [tilespmem:s24+$0xFFFFFFB0];
	(xrf1) =	vunique.msk.u32 $0xffff, v15;
	[tilespmem:s19+$0x20] =	vst v9  }
0x6a: {  	v9 =	vld [tilespmem:s24+$0xFFFFFFA0];
	(xrf1) =	vunique.msk.u32 $0xffff, v20;
	[tilespmem:s20+$0x70] =	vst v6  }
0x6b: {  	v6 =	vld [tilespmem:s24+$0x20];
	(xrf1) =	vunique.msk.u32 $0xffff, v22;
	[tilespmem:s20+$0x50] =	vst v14  }
0x6c: {  	v14 =	vld [tilespmem:s24+$0x30];
	(xrf1) =	vunique.msk.u32 $0xffff, v24;
	[tilespmem:s19+$0x30] =	vst v12  }
0x6d: {  	v12 =	vld [tilespmem:s24+$0x50];
	(xrf1) =	vunique.msk.u32 $0xffff, v18;
	[tilespmem:s20+$0xFFFFFFF0] =	vst v5  }
0x6e: {  	(xrf1) =	vunique.msk.u32 $0xffff, v13;
	[tilespmem:s20+$0x60] =	vst v16  }
0x6f: {  	v5 =	vld [tilespmem:s24+$0xFFFFFF90];
	(xrf1) =	vunique.msk.u32 $0xffff, v9;
	[tilespmem:s19+$0x10] =	vst v3;
	s19 =	smov.u32 s25  }
0x70: {  	(xrf1) =	vunique.msk.u32 $0xffff, v6;
	[tilespmem:s20+$0xFFFFFFB0] =	vst v10  }
0x71: {  	(xrf1) =	vunique.msk.u32 $0xffff, v14;
	[tilespmem:s20+$0x20] =	vst v11  }
0x72: {  	_, v3, vm0 =	vpop (xrf1);
	(xrf1) =	vunique.msk.u32 $0xffff, v12;
	[tilespmem:s20+$0xFFFFFFA0] =	vst v8  }
0x73: {  	v3 =	vsub.s32 v3, v0;
	(xrf1) =	vunique.msk.u32 $0xffff, v23;
	[tilespmem:s20+$0x10] =	vst v4  }
0x74: {  	[tilespmem:s25+$0xFFFFFF80] =	vst v3;
	v3 =	vadd.s32 $0x1, v3;
	(xrf1) =	vunique.msk.u32 $0xffff, v5  }
0x75: {  	v3 =	vnsel vm0, $0x0, v3;
	_, v4, vm0 =	vpop (xrf1);
	(xrf1) =	vunique.msk.u32 $0xffff, v21;
	[tilespmem:s20+$0x0] =	vst v2  }
0x76: {  	v11 =	vsub.s32 v4, v0;
	_, v4, vm1 =	vpop (xrf1);
	[tilespmem:s20+$0x30] =	vst v7;
	s20 =	smov.u32 s22  }
0x77: {  	v4 =	vsub.s32 v4, v0;
	[tilespmem:s25+$0x40] =	vst v11;
	v10 =	vadd.s32 $0x1, v11;
	_, v5, vm2 =	vpop (xrf1)  }
0x78: {  	[tilespmem:s22+$0xFFFFFF80] =	vst v3;
	v3 =	vadd.s32 $0x1, v4;
	v5 =	vsub.s32 v5, v0;
	v9 =	vnsel vm0, $0x0, v10;
	_, v6, vm0 =	vpop (xrf1)  }
0x79: {  	v3 =	vnsel vm1, $0x0, v3;
	v7 =	vadd.s32 $0x1, v5;
	v8 =	vsub.s32 v6, v0;
	[tilespmem:s22+$0x40] =	vst v9;
	_, v2, vm1 =	vpop (xrf1)  }
.Ltmp2:
0x7a: {  	[tilespmem:s25+$0xFFFFFFC0] =	vst v4;
	v4 =	vnsel vm2, $0x0, v7;
	v6 =	vadd.s32 $0x1, v8;
	v9 =	vsub.s32 v2, v0;
	_, v2, vm2 =	vpop (xrf1);
	(pc) =	sbr.rel @p0 .LBB2_5-.Ltmp2, $4  }
0x7b: {  	[tilespmem:s25+$0xFFFFFFD0] =	vst v5;
	v6 =	vnsel vm0, $0x0, v6;
	v5 =	vadd.s32 $0x1, v9;
	v7 =	vsub.s32 v2, v0;
	_, v2, vm3 =	vpop (xrf1)  }
0x7c: {  	[tilespmem:s22+$0xFFFFFFC0] =	vst v3;
	v5 =	vnsel vm1, $0x0, v5;
	v10 =	vadd.s32 $0x1, v7;
	v3 =	vsub.s32 v2, v0;
	_, v2, vm1 =	vpop (xrf1)  }
0x7d: {  	v11 =	vsub.s32 v2, v0;
	[tilespmem:s25+$0xFFFFFFE0] =	vst v8;
	v2 =	vnsel vm2, $0x0, v10;
	v13 =	vadd.s32 $0x1, v3;
	_, v8, vm0 =	vpop (xrf1)  }
0x7e: {  	s21 =	simm.s32 $0x0;
	s24 =	sadd.s32 $0x100, s24;
	v8 =	vsub.s32 v8, v0;
	v10 =	vadd.s32 $0x1, v11;
	[tilespmem:s22+$0xFFFFFFD0] =	vst v4;
	v4 =	vnsel vm3, $0x0, v13;
	_, v12, vm2 =	vpop (xrf1)  }
0x7f: {  	[tilespmem:s19+$0xFFFFFFF0] =	vst v9  }
0x80: {  	[tilespmem:s19+$0xFFFFFFA0] =	vst v8  }
0x81: {  	[tilespmem:s19+$0xFFFFFFB0] =	vst v11  }
0x82: {  	[tilespmem:s19+$0x0] =	vst v7  }
0x83: {  	[tilespmem:s20+$0xFFFFFFE0] =	vst v6  }
0x84: {  	v12 =	vsub.s32 v12, v0;
	[tilespmem:s19+$0x10] =	vst v3  }
0x85: {  	[tilespmem:s19+$0x20] =	vst v12  }
0x86: {  	v62 =	vnsel vm1, $0x0, v10;
	[tilespmem:s20+$0xFFFFFFF0] =	vst v5  }
0x87: {  	[tilespmem:s20+$0xFFFFFFB0] =	vst v62  }
0x88: {  	_, v54, vm3 =	vpop (xrf1);
	[tilespmem:s20+$0x10] =	vst v4  }
0x89: {  	v3 =	vadd.s32 $0x1, v8;
	v61 =	vsub.s32 v54, v0;
	[tilespmem:s20+$0x0] =	vst v2  }
0x8a: {  	_, v13, vm4 =	vpop (xrf1);
	v3 =	vnsel vm0, $0x0, v3;
	[tilespmem:s19+$0x30] =	vst v61  }
0x8b: {  	v55 =	vsub.s32 v13, v0;
	_, v56, vm5 =	vpop (xrf1);
	[tilespmem:s20+$0xFFFFFFA0] =	vst v3  }
0x8c: {  	v3 =	vadd.s32 $0x1, v61;
	[tilespmem:s19+$0x50] =	vst v55;
	v58 =	vsub.s32 v56, v0  }
0x8d: {  	_, v57, vm6 =	vpop (xrf1);
	v3 =	vnsel vm3, $0x0, v3;
	[tilespmem:s19+$0x60] =	vst v58  }
0x8e: {  	v11 =	vadd.s32 $0x1, v55;
	v7 =	vsub.s32 v57, v0;
	[tilespmem:s20+$0x30] =	vst v3  }
0x8f: {  	_, v59, vm7 =	vpop (xrf1);
	v11 =	vnsel vm4, $0x0, v11;
	[tilespmem:s19+$0xFFFFFF90] =	vst v7  }
0x90: {  	v6 =	vadd.s32 $0x1, v58;
	v13 =	vsub.s32 v59, v0;
	[tilespmem:s20+$0x50] =	vst v11  }
0x91: {  	v7 =	vadd.s32 $0x1, v7;
	v6 =	vnsel vm5, $0x0, v6;
	[tilespmem:s19+$0x70] =	vst v13  }
0x92: {  	v63 =	vadd.s32 $0x1, v12;
	v7 =	vnsel vm6, $0x0, v7;
	[tilespmem:s20+$0x60] =	vst v6  }
0x93: {  	v13 =	vadd.s32 $0x1, v13;
	v6 =	vnsel vm2, $0x0, v63;
	[tilespmem:s20+$0xFFFFFF90] =	vst v7  }
0x94: {  	v60 =	vnsel vm7, $0x0, v13;
	[tilespmem:s20+$0x20] =	vst v6  }
0x95: {  	s19 =	simm.s32 $0x0;
	[tilespmem:s20+$0x70] =	vst v60  }
.LBB2_7:
0x96: {  	s20 =	sshra.s32 s19, $0x2  }
0x97: {  	v2 =	vld [tilespmem:s20+$0x0];
	_ =	sdelay $0x3  }
0x98: {  	v3 =	vld [tilespmem:s20+$0x4000];
	_ =	sdelay $0x2  }
0x99: {  	v5 =	vld [tilespmem:s20+$0x3000]  }
0x9a: {  	v4 =	vld.idx.msk [tilespmem:v2+s12+$0x0], $0xffff  }
0x9b: {  	vm0 =	vgt.s32 v3, $0x0;
	_ =	sdelay $0x3  }
0x9c: {  	v4 =	vadd.s32 v4, v5  }
0x9d: {  	[tilespmem:s20+$0x3000] =	vst v4  }
0x9e: {  	[tilespmem:v2+s12+$0x0] =	vst.idx.add.s32.msk vm0, v3  }
0x9f: {  	v2 =	vld [tilespmem:s20+$0x10];
	_ =	sdelay $0x3  }
0xa0: {  	v3 =	vld [tilespmem:s20+$0x4010];
	_ =	sdelay $0x2  }
0xa1: {  	v49 =	vld [tilespmem:s20+$0x3010]  }
0xa2: {  	v4 =	vld.idx.msk [tilespmem:v2+s12+$0x0], $0xffff  }
0xa3: {  	vm13 =	vgt.s32 v3, $0x0;
	_ =	sdelay $0x3  }
0xa4: {  	v4 =	vadd.s32 v4, v49  }
0xa5: {  	[tilespmem:s20+$0x3010] =	vst v4  }
0xa6: {  	[tilespmem:v2+s12+$0x0] =	vst.idx.add.s32.msk vm13, v3  }
0xa7: {  	v2 =	vld [tilespmem:s20+$0x20];
	_ =	sdelay $0x3  }
0xa8: {  	v3 =	vld [tilespmem:s20+$0x4020];
	_ =	sdelay $0x2  }
0xa9: {  	v50 =	vld [tilespmem:s20+$0x3020]  }
0xaa: {  	v4 =	vld.idx.msk [tilespmem:v2+s12+$0x0], $0xffff  }
0xab: {  	vm14 =	vgt.s32 v3, $0x0;
	_ =	sdelay $0x3  }
0xac: {  	v4 =	vadd.s32 v4, v50  }
0xad: {  	[tilespmem:s20+$0x3020] =	vst v4  }
0xae: {  	[tilespmem:v2+s12+$0x0] =	vst.idx.add.s32.msk vm14, v3  }
0xaf: {  	v2 =	vld [tilespmem:s20+$0x30];
	_ =	sdelay $0x3  }
0xb0: {  	v3 =	vld [tilespmem:s20+$0x4030];
	_ =	sdelay $0x2  }
0xb1: {  	v51 =	vld [tilespmem:s20+$0x3030]  }
0xb2: {  	v4 =	vld.idx.msk [tilespmem:v2+s12+$0x0], $0xffff  }
0xb3: {  	vm15 =	vgt.s32 v3, $0x0;
	_ =	sdelay $0x3  }
0xb4: {  	v4 =	vadd.s32 v4, v51  }
0xb5: {  	[tilespmem:s20+$0x3030] =	vst v4  }
0xb6: {  	[tilespmem:v2+s12+$0x0] =	vst.idx.add.s32.msk vm15, v3  }
0xb7: {  	v2 =	vld [tilespmem:s20+$0x40];
	_ =	sdelay $0x3  }
0xb8: {  	v3 =	vld [tilespmem:s20+$0x4040];
	_ =	sdelay $0x2  }
0xb9: {  	v52 =	vld [tilespmem:s20+$0x3040]  }
0xba: {  	v4 =	vld.idx.msk [tilespmem:v2+s12+$0x0], $0xffff  }
0xbb: {  	vm4 =	vgt.s32 v3, $0x0;
	_ =	sdelay $0x3  }
0xbc: {  	v4 =	vadd.s32 v4, v52  }
0xbd: {  	[tilespmem:s20+$0x3040] =	vst v4  }
0xbe: {  	[tilespmem:v2+s12+$0x0] =	vst.idx.add.s32.msk vm4, v3  }
0xbf: {  	v2 =	vld [tilespmem:s20+$0x50];
	_ =	sdelay $0x3  }
0xc0: {  	v3 =	vld [tilespmem:s20+$0x4050];
	_ =	sdelay $0x2  }
0xc1: {  	v53 =	vld [tilespmem:s20+$0x3050]  }
0xc2: {  	v4 =	vld.idx.msk [tilespmem:v2+s12+$0x0], $0xffff  }
0xc3: {  	vm5 =	vgt.s32 v3, $0x0;
	_ =	sdelay $0x3  }
0xc4: {  	v4 =	vadd.s32 v4, v53  }
0xc5: {  	[tilespmem:s20+$0x3050] =	vst v4  }
0xc6: {  	[tilespmem:v2+s12+$0x0] =	vst.idx.add.s32.msk vm5, v3  }
0xc7: {  	v2 =	vld [tilespmem:s20+$0x60];
	_ =	sdelay $0x3  }
0xc8: {  	v3 =	vld [tilespmem:s20+$0x4060];
	_ =	sdelay $0x2  }
0xc9: {  	v54 =	vld [tilespmem:s20+$0x3060]  }
0xca: {  	v4 =	vld.idx.msk [tilespmem:v2+s12+$0x0], $0xffff  }
0xcb: {  	vm6 =	vgt.s32 v3, $0x0;
	_ =	sdelay $0x3  }
0xcc: {  	v4 =	vadd.s32 v4, v54  }
0xcd: {  	[tilespmem:s20+$0x3060] =	vst v4  }
0xce: {  	[tilespmem:v2+s12+$0x0] =	vst.idx.add.s32.msk vm6, v3  }
0xcf: {  	v2 =	vld [tilespmem:s20+$0x70];
	_ =	sdelay $0x3  }
0xd0: {  	v3 =	vld [tilespmem:s20+$0x4070];
	_ =	sdelay $0x2  }
0xd1: {  	v55 =	vld [tilespmem:s20+$0x3070]  }
0xd2: {  	v4 =	vld.idx.msk [tilespmem:v2+s12+$0x0], $0xffff  }
0xd3: {  	vm7 =	vgt.s32 v3, $0x0;
	_ =	sdelay $0x3  }
0xd4: {  	v4 =	vadd.s32 v4, v55  }
0xd5: {  	[tilespmem:s20+$0x3070] =	vst v4  }
0xd6: {  	[tilespmem:v2+s12+$0x0] =	vst.idx.add.s32.msk vm7, v3  }
0xd7: {  	v2 =	vld [tilespmem:s20+$0x80];
	_ =	sdelay $0x3  }
0xd8: {  	v3 =	vld [tilespmem:s20+$0x4080];
	_ =	sdelay $0x2  }
0xd9: {  	v56 =	vld [tilespmem:s20+$0x3080]  }
0xda: {  	v4 =	vld.idx.msk [tilespmem:v2+s12+$0x0], $0xffff  }
0xdb: {  	vm8 =	vgt.s32 v3, $0x0;
	_ =	sdelay $0x3  }
0xdc: {  	v4 =	vadd.s32 v4, v56  }
0xdd: {  	[tilespmem:s20+$0x3080] =	vst v4  }
0xde: {  	[tilespmem:v2+s12+$0x0] =	vst.idx.add.s32.msk vm8, v3  }
0xdf: {  	v2 =	vld [tilespmem:s20+$0x90];
	_ =	sdelay $0x3  }
0xe0: {  	v3 =	vld [tilespmem:s20+$0x4090];
	_ =	sdelay $0x2  }
0xe1: {  	v57 =	vld [tilespmem:s20+$0x3090]  }
0xe2: {  	v4 =	vld.idx.msk [tilespmem:v2+s12+$0x0], $0xffff  }
0xe3: {  	vm9 =	vgt.s32 v3, $0x0;
	_ =	sdelay $0x3  }
0xe4: {  	v4 =	vadd.s32 v4, v57  }
0xe5: {  	[tilespmem:s20+$0x3090] =	vst v4  }
0xe6: {  	[tilespmem:v2+s12+$0x0] =	vst.idx.add.s32.msk vm9, v3  }
0xe7: {  	v2 =	vld [tilespmem:s20+$0xA0];
	_ =	sdelay $0x3  }
0xe8: {  	v3 =	vld [tilespmem:s20+$0x40A0];
	_ =	sdelay $0x2  }
0xe9: {  	v58 =	vld [tilespmem:s20+$0x30A0]  }
0xea: {  	v4 =	vld.idx.msk [tilespmem:v2+s12+$0x0], $0xffff  }
0xeb: {  	vm10 =	vgt.s32 v3, $0x0;
	_ =	sdelay $0x3  }
0xec: {  	v4 =	vadd.s32 v4, v58  }
0xed: {  	[tilespmem:s20+$0x30A0] =	vst v4  }
0xee: {  	[tilespmem:v2+s12+$0x0] =	vst.idx.add.s32.msk vm10, v3  }
0xef: {  	v2 =	vld [tilespmem:s20+$0xB0];
	_ =	sdelay $0x3  }
0xf0: {  	v3 =	vld [tilespmem:s20+$0x40B0];
	_ =	sdelay $0x2  }
0xf1: {  	v59 =	vld [tilespmem:s20+$0x30B0]  }
0xf2: {  	v4 =	vld.idx.msk [tilespmem:v2+s12+$0x0], $0xffff  }
0xf3: {  	vm11 =	vgt.s32 v3, $0x0;
	_ =	sdelay $0x3  }
0xf4: {  	v4 =	vadd.s32 v4, v59  }
0xf5: {  	[tilespmem:s20+$0x30B0] =	vst v4  }
0xf6: {  	[tilespmem:v2+s12+$0x0] =	vst.idx.add.s32.msk vm11, v3  }
0xf7: {  	v2 =	vld [tilespmem:s20+$0xC0];
	_ =	sdelay $0x3  }
0xf8: {  	v3 =	vld [tilespmem:s20+$0x40C0];
	_ =	sdelay $0x2  }
0xf9: {  	v60 =	vld [tilespmem:s20+$0x30C0]  }
0xfa: {  	v4 =	vld.idx.msk [tilespmem:v2+s12+$0x0], $0xffff  }
0xfb: {  	vm12 =	vgt.s32 v3, $0x0;
	_ =	sdelay $0x3  }
0xfc: {  	v4 =	vadd.s32 v4, v60  }
0xfd: {  	[tilespmem:s20+$0x30C0] =	vst v4  }
0xfe: {  	[tilespmem:v2+s12+$0x0] =	vst.idx.add.s32.msk vm12, v3  }
0xff: {  	v2 =	vld [tilespmem:s20+$0xD0];
	_ =	sdelay $0x3  }
0x100: {  	v3 =	vld [tilespmem:s20+$0x40D0];
	_ =	sdelay $0x2  }
0x101: {  	v61 =	vld [tilespmem:s20+$0x30D0]  }
0x102: {  	v4 =	vld.idx.msk [tilespmem:v2+s12+$0x0], $0xffff  }
0x103: {  	vm13 =	vgt.s32 v3, $0x0;
	_ =	sdelay $0x3  }
0x104: {  	v4 =	vadd.s32 v4, v61  }
0x105: {  	[tilespmem:s20+$0x30D0] =	vst v4  }
0x106: {  	[tilespmem:v2+s12+$0x0] =	vst.idx.add.s32.msk vm13, v3  }
0x107: {  	v2 =	vld [tilespmem:s20+$0xE0];
	_ =	sdelay $0x3  }
0x108: {  	v3 =	vld [tilespmem:s20+$0x40E0];
	_ =	sdelay $0x2  }
0x109: {  	v62 =	vld [tilespmem:s20+$0x30E0]  }
0x10a: {  	v4 =	vld.idx.msk [tilespmem:v2+s12+$0x0], $0xffff  }
0x10b: {  	vm14 =	vgt.s32 v3, $0x0;
	_ =	sdelay $0x3  }
0x10c: {  	v4 =	vadd.s32 v4, v62  }
0x10d: {  	[tilespmem:s20+$0x30E0] =	vst v4  }
0x10e: {  	[tilespmem:v2+s12+$0x0] =	vst.idx.add.s32.msk vm14, v3  }
0x10f: {  	v2 =	vld [tilespmem:s20+$0xF0];
	_ =	sdelay $0x3  }
0x110: {  	v3 =	vld [tilespmem:s20+$0x40F0];
	_ =	sdelay $0x2  }
0x111: {  	v63 =	vld [tilespmem:s20+$0x30F0]  }
0x112: {  	v4 =	vld.idx.msk [tilespmem:v2+s12+$0x0], $0xffff  }
0x113: {  	vm15 =	vgt.s32 v3, $0x0  }
0x114: {  	p0 =	sne.s32 s19, $0x3C00  }
.Ltmp3:
0x115: {  	_ = 	snop;
	(pc) =	sbr.rel @p0 .LBB2_7-.Ltmp3, $4  }
0x116: {  	_ = 	snop  }
0x117: {  	v4 =	vadd.s32 v4, v63  }
0x118: {  	[tilespmem:s20+$0x30F0] =	vst v4  }
0x119: {  	s19 =	sadd.s32 $0x400, s19;
	[tilespmem:v2+s12+$0x0] =	vst.idx.add.s32.msk vm15, v3  }
0x11a: {  	s20 =	simm.s32 $0x2080  }
0x11b: {  	v3 =	vld [tilespmem:s20+$0xFFFFFFC0]  }
0x11c: {  	v4 =	vld [tilespmem:s20+$0x30]  }
0x11d: {  	v5 =	vld [tilespmem:s20+$0xFFFFFFB0]  }
0x11e: {  	v7 =	vld [tilespmem:s20+$0x20]  }
0x11f: {  	v9 =	vld [tilespmem:s20+$0x10]  }
0x120: {  	v11 =	vld [tilespmem:s20+$0xFFFFFF90];
	(xrf0) =	vadd.scan.msk.s32 $0xffff, v3  }
0x121: {  	v14 =	vld [tilespmem:s20+$0xFFFFFFA0];
	(xrf0) =	vadd.scan.msk.s32 $0xffff, v4  }
0x122: {  	v15 =	vld [tilespmem:s20+$0x70];
	(xrf0) =	vadd.scan.msk.s32 $0xffff, v5  }
0x123: {  	v10 =	vld [tilespmem:s20+$0x40];
	(xrf0) =	vadd.scan.msk.s32 $0xffff, v7  }
0x124: {  	v16 =	vld [tilespmem:s20+$0xFFFFFF80];
	(xrf0) =	vadd.scan.msk.s32 $0xffff, v9  }
0x125: {  	v17 =	vld [tilespmem:s20+$0x0];
	(xrf0) =	vadd.scan.msk.s32 $0xffff, v11  }
0x126: {  	v12 =	vld [tilespmem:s20+$0xFFFFFFE0];
	v8, _, _ =	vpop (xrf0);
	(xrf0) =	vadd.scan.msk.s32 $0xffff, v14  }
0x127: {  	v18 =	vld [tilespmem:s20+$0xFFFFFFF0];
	v19, _, _ =	vpop (xrf0);
	(xrf0) =	vadd.scan.msk.s32 $0xffff, v15  }
0x128: {  	v13 =	vld [tilespmem:s20+$0x50];
	v21, _, _ =	vpop (xrf0);
	(xrf0) =	vadd.scan.msk.s32 $0xffff, v10  }
0x129: {  	v23 =	vld [tilespmem:s20+$0xFFFFFFD0];
	(xrf0) =	vadd.scan.msk.s32 $0xffff, v16;
	v24, _, _ =	vpop (xrf0)  }
0x12a: {  	(xrf0) =	vadd.scan.msk.s32 $0xffff, v17;
	v25, _, _ =	vpop (xrf0)  }
0x12b: {  	v26, _, _ =	vpop (xrf0);
	(xrf0) =	vadd.scan.msk.s32 $0xffff, v12  }
0x12c: {  	v27, _, _ =	vpop (xrf0);
	(xrf0) =	vadd.scan.msk.s32 $0xffff, v18  }
0x12d: {  	(v2sf) =	vpush v8, $0xF;
	(xrf0) =	vadd.scan.msk.s32 $0xffff, v13;
	v28, _, _ =	vpop (xrf0)  }
0x12e: {  	s19 =	simm.s32 $0x2180;
	v6 =	vld [tilespmem:s20+$0x60];
	(v2sf) =	vpush v21, $0xF;
	(xrf0) =	vadd.scan.msk.s32 $0xffff, v23;
	v29, _, _ =	vpop (xrf0)  }
0x12f: {  	v31 =	vld [tilespmem:s19+$0xFFFFFFC0];
	(v2sf) =	vpush v25, $0xF;
	v30, _, _ =	vpop (xrf0)  }
0x130: {  	v33 =	vld [tilespmem:s19+$0x30];
	(v2sf) =	vpush v26, $0xF;
	v32, _, _ =	vpop (xrf0)  }
0x131: {  	v34 =	vld [tilespmem:s19+$0xFFFFFFB0];
	(v2sf) =	vpush v30, $0xF;
	v35, _, _ =	vpop (xrf0)  }
0x132: {  	v37 =	vld [tilespmem:s19+$0x20];
	(v2sf) =	vpush v32, $0xF;
	v36, _, _ =	vpop (xrf0)  }
0x133: {  	v38 =	vld [tilespmem:s19+$0x10];
	(xrf0) =	vadd.scan.msk.s32 $0xffff, v6;
	(v2sf) =	vpush v27, $0xF;
	v39, _, _ =	vpop (xrf0)  }
0x134: {  	v42 =	vld [tilespmem:s19+$0xFFFFFF90];
	(xrf0) =	vadd.scan.msk.s32 $0xffff, v31;
	(v2sf) =	vpush v19, $0xF;
	v41, _, _ =	vpop (xrf0)  }
0x135: {  	v43 =	vld [tilespmem:s19+$0xFFFFFFA0];
	(xrf0) =	vadd.scan.msk.s32 $0xffff, v33;
	(v2sf) =	vpush v41, $0xF  }
0x136: {  	v20 =	vld [tilespmem:s19+$0x70];
	(xrf0) =	vadd.scan.msk.s32 $0xffff, v34  }
0x137: {  	v2 =	vld [tilespmem:s19+$0x40];
	(xrf0) =	vadd.scan.msk.s32 $0xffff, v37;
	(v2sf) =	vpush v35, $0xF  }
0x138: {  	v22 =	vld [tilespmem:s19+$0xFFFFFF80];
	(xrf0) =	vadd.scan.msk.s32 $0xffff, v38;
	(v2sf) =	vpush v36, $0xF  }
0x139: {  	v44, _, _ =	vpop (xrf0);
	(xrf0) =	vadd.scan.msk.s32 $0xffff, v42  }
0x13a: {  	v45 =	vld [tilespmem:s19+$0x0];
	(v2sf) =	vpush v44, $0xF;
	v46, _, _ =	vpop (xrf0);
	(xrf0) =	vadd.scan.msk.s32 $0xffff, v43  }
0x13b: {  	v40 =	vsub.s32 v8, v3;
	(v2sf) =	vpush v28, $0xF;
	v47, _, _ =	vpop (xrf0);
	(xrf0) =	vadd.scan.msk.s32 $0xffff, v20  }
0x13c: {  	v8 =	vld [tilespmem:s19+$0xFFFFFFE0];
	v21 =	vsub.s32 v21, v5;
	v5 =	vsub.s32 s21, v16;
	s23 =	spop (v2sf);
	(v2sf) =	vpush v24, $0xF;
	v3, _, _ =	vpop (xrf0);
	(xrf0) =	vadd.scan.msk.s32 $0xffff, v2  }
0x13d: {  	v49 =	vld [tilespmem:s19+$0xFFFFFFF0];
	v48 =	vsub.s32 v24, v7;
	v25 =	vsub.s32 v25, v9;
	s25 =	spop (v2sf);
	(v2sf) =	vpush v29, $0xF;
	(xrf0) =	vadd.scan.msk.s32 $0xffff, v22;
	v24, _, _ =	vpop (xrf0)  }
0x13e: {  	v14 =	vsub.s32 v27, v14;
	v19 =	vsub.s32 v19, v4;
	v4 =	vld [tilespmem:s19+$0x50];
	s22 =	spop (v2sf);
	(v2sf) =	vpush v46, $0xF;
	v16, _, _ =	vpop (xrf0)  }
0x13f: {  	v53 =	vadd.s32 v30, v5;
	v27 =	vld [tilespmem:s19+$0xFFFFFFD0];
	v28 =	vsub.s32 v28, v15;
	s29 =	spop (v2sf);
	(xrf0) =	vadd.scan.msk.s32 $0xffff, v45;
	(v2sf) =	vpush v39, $0xF;
	v15, _, _ =	vpop (xrf0)  }
0x140: {  	v26 =	vsub.s32 v26, v11;
	v17 =	vsub.s32 v32, v17;
	[tilespmem:s20+$0xFFFFFF80] =	vst v53;
	v12 =	vsub.s32 v35, v12;
	v54, _, _ =	vpop (xrf0);
	s24 =	spop (v2sf)  }
0x141: {  	v18 =	vsub.s32 v36, v18;
	v63 =	vsub.s32 v41, v23;
	(xrf0) =	vadd.scan.msk.s32 $0xffff, v8;
	(v2sf) =	vpush v3, $0xF;
	v55, _, _ =	vpop (xrf0);
	s24 =	sadd.s32 $0x0, s24;
	s26 =	spop (v2sf)  }
0x142: {  	v9 =	vld [tilespmem:s19+$0x60];
	v5 =	vsub.s32 v47, v33;
	v30 =	vsub.s32 v3, v34;
	(xrf0) =	vadd.scan.msk.s32 $0xffff, v49;
	(v2sf) =	vpush v16, $0xF;
	v34, _, _ =	vpop (xrf0);
	s21 =	sadd.s32 s24, s29;
	s28 =	spop (v2sf)  }
0x143: {  	v7 =	vsub.s32 v24, v37;
	(xrf0) =	vadd.scan.msk.s32 $0xffff, v4;
	(v2sf) =	vpush v15, $0xF;
	v26 =	vadd.s32 s24, v26;
	v50, _, _ =	vpop (xrf0);
	s28 =	sadd.s32 s21, s28;
	s24 =	spop (v2sf)  }
0x144: {  	v11 =	vsub.s32 v16, v38;
	(xrf0) =	vadd.scan.msk.s32 $0xffff, v27;
	v56 =	vadd.s32 s21, v14;
	s21 =	simm.s32 $0x2280;
	s29 =	sadd.s32 s28, s25;
	s31 =	spop (v2sf);
	(v2sf) =	vpush v50, $0xF  }
0x145: {  	v3 =	vsub.s32 v46, v31;
	[tilespmem:s20+$0xFFFFFF90] =	vst v26;
	v41 =	vadd.s32 s28, v21;
	v51 =	vld [tilespmem:s21+$0xFFFFFFC0];
	v21 =	vsub.s32 v29, v10;
	v10, _, _ =	vpop (xrf0);
	s23 =	sadd.s32 s29, s23  }
0x146: {  	v26 =	vsub.s32 v39, v13;
	v29 =	vld [tilespmem:s21+$0x30];
	[tilespmem:s20+$0xFFFFFFA0] =	vst v56;
	v14 =	vadd.s32 s23, v63;
	s23 =	sadd.s32 s23, s31;
	s31 =	spop (v2sf);
	(v2sf) =	vpush v10, $0xF  }
0x147: {  	v58 =	vld [tilespmem:s21+$0xFFFFFFB0];
	(xrf0) =	vadd.scan.msk.s32 $0xffff, v9;
	v13, _, _ =	vpop (xrf0);
	[tilespmem:s20+$0xFFFFFFD0] =	vst v14;
	v12 =	vadd.s32 s23, v12;
	s23 =	sadd.s32 s23, s31;
	s31 =	spop (v2sf);
	(v2sf) =	vpush v54, $0xF  }
0x148: {  	v23 =	vsub.s32 v15, v42;
	v60 =	vld [tilespmem:s21+$0x20];
	v15 =	vsub.s32 v10, v45;
	v59, _, _ =	vpop (xrf0);
	[tilespmem:s20+$0xFFFFFFE0] =	vst v12;
	v10 =	vadd.s32 s23, v18;
	s23 =	sadd.s32 s23, s31  }
0x149: {  	v57 =	vsub.s32 v54, v43;
	v61 =	vld [tilespmem:s21+$0x10];
	v16, _, _ =	vpop (xrf0);
	s25 =	spop (v2sf);
	(v2sf) =	vpush v47, $0xF;
	[tilespmem:s20+$0xFFFFFFF0] =	vst v10;
	v10 =	vadd.s32 s23, v17;
	s23 =	sadd.s32 s23, s26  }
0x14a: {  	v62 =	vld [tilespmem:s21+$0xFFFFFF90];
	s26 =	spop (v2sf);
	(xrf0) =	vadd.scan.msk.s32 $0xffff, v51;
	v12, _, _ =	vpop (xrf0);
	[tilespmem:s20+$0x0] =	vst v10;
	v10 =	vadd.s32 s23, v25;
	s22 =	sadd.s32 s23, s22;
	v25 =	vsub.s32 v44, v6  }
0x14b: {  	s31 =	spop (v2sf);
	(xrf0) =	vadd.scan.msk.s32 $0xffff, v29;
	[tilespmem:s20+$0x10] =	vst v10;
	v6 =	vadd.s32 s22, v48;
	v10 =	vld [tilespmem:s21+$0xFFFFFFA0];
	(v2sf) =	vpush v12, $0xF  }
0x14c: {  	v46 =	vadd.s32 s29, v40;
	s22 =	sadd.s32 s22, s31;
	s28 =	spop (v2sf);
	(xrf0) =	vadd.scan.msk.s32 $0xffff, v58;
	[tilespmem:s20+$0x20] =	vst v6;
	v6 =	vld [tilespmem:s21+$0x70];
	(v2sf) =	vpush v13, $0xF  }
0x14d: {  	v17 =	vld [tilespmem:s21+$0x40];
	v31 =	vsub.s32 v12, v27;
	v18, _, _ =	vpop (xrf0);
	s23 =	spop (v2sf);
	v12 =	vadd.s32 s22, v19;
	s22 =	sadd.s32 s22, s24;
	(xrf0) =	vadd.scan.msk.s32 $0xffff, v60;
	(v2sf) =	vpush v59, $0xF  }
0x14e: {  	[tilespmem:s20+$0x30] =	vst v12;
	v12 =	vadd.s32 s22, v21;
	s22 =	sadd.s32 s22, s28;
	s31 =	spop (v2sf);
	v21 =	vld [tilespmem:s21+$0xFFFFFF80];
	(xrf0) =	vadd.scan.msk.s32 $0xffff, v61;
	(v2sf) =	vpush v18, $0xF  }
0x14f: {  	[tilespmem:s20+$0x40] =	vst v12;
	v12 =	vadd.s32 s22, v26;
	s22 =	sadd.s32 s22, s31;
	v26 =	vld [tilespmem:s21+$0x0];
	(xrf0) =	vadd.scan.msk.s32 $0xffff, v62;
	(v2sf) =	vpush v55, $0xF  }
0x150: {  	v19 =	vld [tilespmem:s21+$0xFFFFFFE0];
	s31 =	spop (v2sf);
	[tilespmem:s20+$0x50] =	vst v12;
	v12 =	vadd.s32 s22, v25;
	v25, _, _ =	vpop (xrf0);
	(xrf0) =	vadd.scan.msk.s32 $0xffff, v10;
	(v2sf) =	vpush v24, $0xF  }
0x151: {  	v14 =	vsub.s32 v59, v49;
	s22 =	sadd.s32 s22, s25;
	s24 =	spop (v2sf);
	[tilespmem:s20+$0x60] =	vst v12;
	v12 =	vld [tilespmem:s21+$0xFFFFFFF0];
	v42, _, _ =	vpop (xrf0);
	(xrf0) =	vadd.scan.msk.s32 $0xffff, v6;
	(v2sf) =	vpush v34, $0xF  }
0x152: {  	v35 =	vld [tilespmem:s21+$0x50];
	v27 =	vadd.s32 s22, v28;
	s22 =	sadd.s32 s22, s26;
	v28 =	vsub.s32 v55, v20;
	s25 =	spop (v2sf);
	v24, _, _ =	vpop (xrf0);
	(xrf0) =	vadd.scan.msk.s32 $0xffff, v17;
	(v2sf) =	vpush v25, $0xF  }
0x153: {  	v33 =	vld [tilespmem:s21+$0xFFFFFFD0];
	v38 =	vsub.s32 v25, v51;
	v22 =	vsub.s32 s22, v22;
	v32, _, _ =	vpop (xrf0);
	(xrf0) =	vadd.scan.msk.s32 $0xffff, v21;
	(v2sf) =	vpush v16, $0xF;
	s26 =	spop (v2sf)  }
0x154: {  	[tilespmem:s20+$0x70] =	vst v27;
	v27 =	vsub.s32 v42, v29;
	v20, _, _ =	vpop (xrf0);
	(xrf0) =	vadd.scan.msk.s32 $0xffff, v26;
	(v2sf) =	vpush v24, $0xF;
	s22 =	sadd.s32 s22, s26  }
0x155: {  	v22 =	vadd.s32 v50, v22;
	v36 =	vsub.s32 v24, v58;
	v63, _, _ =	vpop (xrf0);
	(xrf0) =	vadd.scan.msk.s32 $0xffff, v19;
	s30 =	spop (v2sf);
	v23 =	vadd.s32 s22, v23  }
0x156: {  	[tilespmem:s19+$0xFFFFFF80] =	vst v22;
	v25 =	vsub.s32 v32, v60;
	v29 =	vsub.s32 v20, v61;
	v39, _, _ =	vpop (xrf0);
	(xrf0) =	vadd.scan.msk.s32 $0xffff, v12;
	s22 =	sadd.s32 s22, s25;
	s26 =	spop (v2sf)  }
0x157: {  	v24 =	vld [tilespmem:s21+$0x60];
	v22 =	vsub.s32 v63, v62;
	(v2sf) =	vpush v20, $0xF;
	s25 =	simm.s32 $0x200;
	(xrf0) =	vadd.scan.msk.s32 $0xffff, v35;
	v20, _, _ =	vpop (xrf0);
	v37 =	vadd.s32 s22, v57;
	s22 =	sadd.s32 s22, s26  }
0x158: {  	(v2sf) =	vpush v63, $0xF;
	[tilespmem:s19+$0xFFFFFF90] =	vst v23;
	s28 =	spop (v2sf);
	s26 =	simm.s32 $0x2380;
	(xrf0) =	vadd.scan.msk.s32 $0xffff, v33;
	v30 =	vadd.s32 s22, v30;
	s22 =	sadd.s32 s22, s31;
	v23, _, _ =	vpop (xrf0)  }
.LBB2_9:
0x159: {  	v40 =	vsub.s32 v39, v10;
	v47, _, _ =	vpop (xrf0);
	v48 =	vsub.s32 v34, v2;
	v49 =	vsub.s32 v16, v4  }
0x15a: {  	v45 =	vld [tilespmem:s26+$0xFFFFFFC0];
	s25 =	sadd.s32 $0x100, s25;
	s23 =	sadd.s32 s22, s23;
	s29 =	spop (v2sf);
	[tilespmem:s20+$0xFFFFFFB0] =	vst v41;
	v2 =	vmovc v17;
	v4 =	vmovc v35;
	v43 =	vmov v36;
	v44 =	vmov v3;
	v3 =	vmov v38  }
0x15b: {  	v8 =	vsub.s32 v13, v8;
	v34 =	vld [tilespmem:s26+$0x10];
	p0 =	slt.u32 s25, $0xF00;
	(v2sf) =	vpush v47, $0xF;
	v10, _, _ =	vpop (xrf0);
	v16 =	vadd.s32 s23, v31;
	s23 =	sadd.s32 s23, s29;
	s29 =	spop (v2sf);
	[tilespmem:s20+$0xFFFFFFC0] =	vst v46  }
0x15c: {  	s20 =	smov.u32 s19;
	v38 =	vld [tilespmem:s26+$0x30];
	v13, _, _ =	vpop (xrf0);
	(v2sf) =	vpush v10, $0xF;
	(xrf0) =	vadd.scan.msk.s32 $0xffff, v24;
	[tilespmem:s19+$0xFFFFFFD0] =	vst v16;
	v8 =	vadd.s32 s23, v8;
	s23 =	sadd.s32 s23, s29;
	s29 =	spop (v2sf)  }
0x15d: {  	v10 =	vsub.s32 v10, v26;
	s19 =	smov.u32 s21;
	v36 =	vld [tilespmem:s26+$0xFFFFFFB0];
	(v2sf) =	vpush v39, $0xF;
	v17, _, _ =	vpop (xrf0);
	[tilespmem:s20+$0xFFFFFFE0] =	vst v8;
	v8 =	vadd.s32 s23, v14;
	s23 =	sadd.s32 s23, s29;
	s31 =	spop (v2sf)  }
0x15e: {  	s21 =	smov.u32 s26;
	v39 =	vld [tilespmem:s26+$0x20];
	v14 =	vsub.s32 v17, v12;
	(v2sf) =	vpush v42, $0xF;
	v16, _, _ =	vpop (xrf0);
	[tilespmem:s20+$0xFFFFFFF0] =	vst v8;
	v26 =	vadd.s32 s23, v15;
	s23 =	sadd.s32 s23, s30;
	s30 =	spop (v2sf)  }
0x15f: {  	v9 =	vsub.s32 v18, v9;
	v12 =	vld [tilespmem:s26+$0xFFFFFFF0];
	(xrf0) =	vadd.scan.msk.s32 $0xffff, v45;
	v15, _, _ =	vpop (xrf0);
	[tilespmem:s20+$0x0] =	vst v26;
	v11 =	vadd.s32 s23, v11;
	s23 =	sadd.s32 s23, s24;
	s24 =	spop (v2sf)  }
0x160: {  	v41 =	vld [tilespmem:s26+$0xFFFFFF90];
	v31 =	vsub.s32 v15, v33;
	(v2sf) =	vpush v15, $0xF;
	[tilespmem:s20+$0x10] =	vst v11;
	v7 =	vadd.s32 s23, v7;
	s24 =	sadd.s32 s23, s24;
	s29 =	spop (v2sf);
	v15 =	vmovc v10;
	v8 =	vmovc v19  }
0x161: {  	v10 =	vld [tilespmem:s26+$0xFFFFFFA0];
	(xrf0) =	vadd.scan.msk.s32 $0xffff, v38;
	s23 =	spop (v2sf);
	(v2sf) =	vpush v13, $0xF;
	[tilespmem:s20+$0x20] =	vst v7;
	v11 =	vadd.s32 s24, v5;
	s24 =	sadd.s32 s24, s28;
	v5 =	vmovc v27  }
0x162: {  	v46 =	vld [tilespmem:s26+$0x70];
	(xrf0) =	vadd.scan.msk.s32 $0xffff, v36;
	(v2sf) =	vpush v17, $0xF;
	v18, _, _ =	vpop (xrf0);
	[tilespmem:s20+$0x30] =	vst v11;
	v19 =	vadd.s32 s24, v48;
	s24 =	sadd.s32 s24, s29;
	s28 =	spop (v2sf)  }
0x163: {  	v17 =	vld [tilespmem:s26+$0x40];
	(xrf0) =	vadd.scan.msk.s32 $0xffff, v39;
	s29 =	spop (v2sf);
	(v2sf) =	vpush v18, $0xF;
	[tilespmem:s20+$0x40] =	vst v19;
	v19 =	vadd.s32 s24, v49;
	s24 =	sadd.s32 s24, s28;
	v7 =	vmovc v25  }
0x164: {  	v48 =	vld [tilespmem:s26+$0xFFFFFF80];
	(xrf0) =	vadd.scan.msk.s32 $0xffff, v34;
	(v2sf) =	vpush v20, $0xF;
	[tilespmem:s20+$0x50] =	vst v19;
	v33 =	vadd.s32 s24, v9;
	s24 =	sadd.s32 s24, s31;
	v11 =	vmovc v29  }
0x165: {  	v26 =	vld [tilespmem:s26+$0x0];
	(xrf0) =	vadd.scan.msk.s32 $0xffff, v41;
	v25, _, _ =	vpop (xrf0);
	(v2sf) =	vpush v32, $0xF;
	[tilespmem:s20+$0x60] =	vst v33;
	v27 =	vadd.s32 s24, v28;
	s28 =	sadd.s32 s24, s30  }
0x166: {  	v9 =	vmovc v24;
	v19 =	vld [tilespmem:s26+$0xFFFFFFE0];
	(xrf0) =	vadd.scan.msk.s32 $0xffff, v10;
	v21 =	vsub.s32 s28, v21;
	(v2sf) =	vpush v23, $0xF;
	[tilespmem:s20+$0x70] =	vst v27  }
0x167: {  	(v2sf) =	vpush v25, $0xF;
	v42, _, _ =	vpop (xrf0);
	(xrf0) =	vadd.scan.msk.s32 $0xffff, v46;
	v21 =	vadd.s32 v47, v21;
	s24 =	spop (v2sf);
	[tilespmem:s20+$0xFFFFFFA0] =	vst v37  }
0x168: {  	v28 =	vsub.s32 v20, v6;
	v35 =	vld [tilespmem:s26+$0x50];
	v24, _, _ =	vpop (xrf0);
	(xrf0) =	vadd.scan.msk.s32 $0xffff, v17;
	[tilespmem:s19+$0xFFFFFF80] =	vst v21;
	s31 =	spop (v2sf);
	(v2sf) =	vpush v16, $0xF  }
0x169: {  	v27 =	vsub.s32 v42, v38;
	v36 =	vsub.s32 v24, v36;
	v33 =	vld [tilespmem:s26+$0xFFFFFFD0];
	(xrf0) =	vadd.scan.msk.s32 $0xffff, v48;
	(v2sf) =	vpush v24, $0xF;
	v32, _, _ =	vpop (xrf0)  }
.Ltmp4:
0x16a: {  	v6 =	vmov v46;
	v38 =	vsub.s32 v25, v45;
	v25 =	vsub.s32 v32, v39;
	(xrf0) =	vadd.scan.msk.s32 $0xffff, v26;
	v20, _, _ =	vpop (xrf0);
	s30 =	spop (v2sf);
	(pc) =	sbr.rel @p0 .LBB2_9-.Ltmp4, $4  }
0x16b: {  	v21 =	vmov v48;
	v29 =	vsub.s32 v20, v34;
	v45, _, _ =	vpop (xrf0);
	(xrf0) =	vadd.scan.msk.s32 $0xffff, v19;
	s28 =	sadd.s32 s28, s30;
	s30 =	spop (v2sf);
	v34 =	vmov v23  }
0x16c: {  	v24 =	vld [tilespmem:s26+$0x60];
	v39, _, _ =	vpop (xrf0);
	(xrf0) =	vadd.scan.msk.s32 $0xffff, v12;
	v46 =	vadd.s32 s28, v22;
	v22 =	vsub.s32 v45, v41;
	s28 =	sadd.s32 s28, s31;
	s31 =	spop (v2sf);
	v41 =	vmov v30  }
0x16d: {  	(v2sf) =	vpush v20, $0xF;
	(xrf0) =	vadd.scan.msk.s32 $0xffff, v35;
	v20, _, _ =	vpop (xrf0);
	[tilespmem:s19+$0xFFFFFF90] =	vst v46;
	v37 =	vadd.s32 s28, v40;
	s31 =	sadd.s32 s28, s31;
	s28 =	spop (v2sf)  }
0x16e: {  	s26 =	sadd.s32 $0x100, s26;
	v46 =	vadd.s32 s22, v44;
	(v2sf) =	vpush v45, $0xF;
	(xrf0) =	vadd.scan.msk.s32 $0xffff, v33;
	v23, _, _ =	vpop (xrf0);
	v30 =	vadd.s32 s31, v43;
	s22 =	sadd.s32 s31, s29  }
0x16f: {  	v40, _, _ =	vpop (xrf0)  }
0x170: {  	(v2sf) =	vpush v40, $0xF;
	v43, _, _ =	vpop (xrf0)  }
0x171: {  	v44, _, _ =	vpop (xrf0);
	(v2sf) =	vpush v43, $0xF;
	(xrf0) =	vadd.scan.msk.s32 $0xffff, v24  }
0x172: {  	(v2sf) =	vpush v39, $0xF;
	v45, _, _ =	vpop (xrf0)  }
0x173: {  	s25 =	spop (v2sf);
	v47, _, _ =	vpop (xrf0)  }
0x174: {  	s23 =	sadd.s32 s22, s23;
	[tilespmem:s20+$0xFFFFFFB0] =	vst v41;
	s26 =	spop (v2sf);
	(v2sf) =	vpush v42, $0xF;
	v60, _, _ =	vpop (xrf0)  }
0x175: {  	v8 =	vsub.s32 v13, v8;
	[tilespmem:s20+$0xFFFFFFC0] =	vst v46;
	v31 =	vadd.s32 s23, v31;
	s23 =	sadd.s32 s23, s25;
	s29 =	spop (v2sf);
	(v2sf) =	vpush v60, $0xF  }
0x176: {  	[tilespmem:s19+$0xFFFFFFA0] =	vst v37;
	v8 =	vadd.s32 s23, v8;
	s23 =	sadd.s32 s23, s26;
	s25 =	spop (v2sf);
	(v2sf) =	vpush v44, $0xF  }
0x177: {  	[tilespmem:s19+$0xFFFFFFE0] =	vst v8;
	v8 =	vadd.s32 s23, v14;
	s20 =	sadd.s32 s23, s29;
	s23 =	spop (v2sf);
	(v2sf) =	vpush v45, $0xF;
	v61, _, _ =	vpop (xrf0)  }
0x178: {  	[tilespmem:s19+$0xFFFFFFF0] =	vst v8;
	v8 =	vadd.s32 s20, v15;
	s20 =	sadd.s32 s20, s30;
	s30 =	spop (v2sf);
	(v2sf) =	vpush v61, $0xF  }
0x179: {  	[tilespmem:s19+$0x0] =	vst v8;
	v8 =	vadd.s32 s20, v11;
	s20 =	sadd.s32 s20, s24;
	s31 =	spop (v2sf);
	(v2sf) =	vpush v20, $0xF  }
0x17a: {  	v3 =	vadd.s32 s22, v3;
	[tilespmem:s19+$0xFFFFFFB0] =	vst v30;
	v7 =	vadd.s32 s20, v7;
	s20 =	sadd.s32 s20, s30;
	s26 =	spop (v2sf);
	(v2sf) =	vpush v32, $0xF  }
0x17b: {  	v2 =	vsub.s32 v34, v2;
	[tilespmem:s19+$0xFFFFFFC0] =	vst v3;
	v5 =	vadd.s32 s20, v5;
	s20 =	sadd.s32 s20, s28;
	s29 =	spop (v2sf)  }
0x17c: {  	v4 =	vsub.s32 v16, v4;
	[tilespmem:s19+$0x30] =	vst v5;
	v2 =	vadd.s32 s20, v2;
	s20 =	sadd.s32 s20, s31;
	s24 =	spop (v2sf);
	(v2sf) =	vpush v23, $0xF  }
0x17d: {  	v5 =	vsub.s32 v18, v9;
	[tilespmem:s19+$0x40] =	vst v2;
	v2 =	vadd.s32 s20, v4;
	s20 =	sadd.s32 s20, s29;
	s28 =	spop (v2sf);
	(v2sf) =	vpush v47, $0xF  }
0x17e: {  	[tilespmem:s19+$0x50] =	vst v2;
	v2 =	vadd.s32 s20, v5;
	s20 =	sadd.s32 s20, s25;
	s29 =	spop (v2sf)  }
0x17f: {  	[tilespmem:s19+$0x60] =	vst v2;
	v2 =	vadd.s32 s20, v28;
	s20 =	sadd.s32 s20, s23;
	s30 =	spop (v2sf)  }
0x180: {  	[tilespmem:s19+$0xFFFFFFD0] =	vst v31;
	v4 =	vsub.s32 s20, v21;
	s20 =	sadd.s32 s20, s30;
	s23 =	spop (v2sf)  }
0x181: {  	[tilespmem:s19+$0x70] =	vst v2;
	v2 =	vadd.s32 v40, v4;
	s25 =	sadd.s32 s20, s29;
	s31 =	spop (v2sf)  }
0x182: {  	[tilespmem:s21+$0xFFFFFF80] =	vst v2;
	v2 =	vadd.s32 s20, v22;
	s20 =	sadd.s32 s25, s31  }
0x183: {  	[tilespmem:s19+$0x10] =	vst v8;
	s29 =	spop (v2sf);
	s24 =	sadd.s32 s20, s24  }
0x184: {  	[tilespmem:s21+$0xFFFFFF90] =	vst v2;
	v2 =	vsub.s32 v60, v33;
	s30 =	sadd.s32 s24, s26;
	s31 =	spop (v2sf)  }
0x185: {  	[tilespmem:s19+$0x20] =	vst v7;
	v4 =	vsub.s32 v44, v19;
	v2 =	vadd.s32 s30, v2;
	s22 =	sadd.s32 s30, s31;
	s26 =	spop (v2sf)  }
0x186: {  	v3 =	vsub.s32 v45, v12;
	[tilespmem:s21+$0xFFFFFFD0] =	vst v2;
	v2 =	vadd.s32 s22, v4;
	s19 =	sadd.s32 s22, s26;
	s30 =	spop (v2sf)  }
0x187: {  	v4 =	vsub.s32 v43, v26;
	[tilespmem:s21+$0xFFFFFFE0] =	vst v2;
	v2 =	vadd.s32 s19, v3;
	s19 =	sadd.s32 s19, s30;
	s31 =	spop (v2sf)  }
0x188: {  	[tilespmem:s21+$0xFFFFFFF0] =	vst v2;
	v2 =	vadd.s32 s19, v4;
	s19 =	sadd.s32 s19, s23;
	s26 =	spop (v2sf)  }
0x189: {  	[tilespmem:s21+$0x0] =	vst v2;
	v2 =	vadd.s32 s19, v29;
	s19 =	sadd.s32 s19, s28;
	s23 =	spop (v2sf)  }
0x18a: {  	[tilespmem:s21+$0x10] =	vst v2;
	v2 =	vadd.s32 s19, v25;
	s19 =	sadd.s32 s19, s23  }
0x18b: {  	v3 =	vsub.s32 v23, v17;
	s28 =	spop (v2sf);
	[tilespmem:s21+$0x20] =	vst v2;
	v2 =	vadd.s32 s19, v27;
	s19 =	sadd.s32 s19, s29  }
0x18c: {  	v4 =	vsub.s32 v47, v35;
	s30 =	spop (v2sf);
	[tilespmem:s21+$0x30] =	vst v2;
	v2 =	vadd.s32 s19, v3;
	s19 =	sadd.s32 s19, s28  }
0x18d: {  	v3 =	vsub.s32 v61, v24;
	[tilespmem:s21+$0x40] =	vst v2;
	v2 =	vadd.s32 s19, v4;
	s19 =	sadd.s32 s19, s30  }
0x18e: {  	v4 =	vsub.s32 v20, v6;
	[tilespmem:s21+$0x50] =	vst v2;
	v2 =	vadd.s32 s19, v3;
	s19 =	sadd.s32 s19, s31  }
0x18f: {  	v3 =	vsub.s32 v39, v10;
	[tilespmem:s21+$0x60] =	vst v2;
	v2 =	vadd.s32 s19, v4  }
0x190: {  	v3 =	vadd.s32 s25, v3;
	[tilespmem:s21+$0x70] =	vst v2  }
0x191: {  	v2 =	vadd.s32 s20, v36;
	[tilespmem:s21+$0xFFFFFFA0] =	vst v3  }
0x192: {  	v3 =	vadd.s32 s24, v38;
	[tilespmem:s21+$0xFFFFFFB0] =	vst v2  }
0x193: {  	[tilespmem:s21+$0xFFFFFFC0] =	vst v3  }
0x194: {  	_ =	swait.ge [sflag:s13], $0x1000  }
0x195: {  	[sflag:s13] =	ssyncset.done $0x0  }
0x196: {  	s31 =	simm.s32 $0x80;
	[sflag:s13] =	ssyncadd.s32 $0xFFFFF000  }
0x197: {  	v12 =	vld [tilespmem:s31+$0x70]  }
0x198: {  	v13 =	vld [tilespmem:s31+$0xFFFFFF90]  }
0x199: {  	v14 =	vld [tilespmem:s31+$0xFFFFFFA0]  }
0x19a: {  	v15 =	vld [tilespmem:s31+$0xFFFFFFB0]  }
0x19b: {  	v27 =	vld [tilespmem:s31+$0xFFFFFFC0]  }
0x19c: {  	v11 =	vld [tilespmem:s31+$0xFFFFFFD0]  }
0x19d: {  	v8 =	vld [tilespmem:s31+$0xFFFFFFE0]  }
0x19e: {  	s19 =	simm.s32 $0x3080;
	v6 =	vld [tilespmem:s31+$0xFFFFFFF0]  }
0x19f: {  	v17 =	vld [tilespmem:s19+$0x70]  }
0x1a0: {  	v9 =	vld [tilespmem:s31+$0x0]  }
0x1a1: {  	v7 =	vld [tilespmem:s31+$0x10]  }
0x1a2: {  	v5 =	vld [tilespmem:s31+$0x20]  }
0x1a3: {  	s20 =	simm.s32 $0x1080;
	v2 =	vld [tilespmem:s31+$0x30]  }
0x1a4: {  	v18 =	vld [tilespmem:s20+$0x70]  }
0x1a5: {  	v3 =	vld [tilespmem:s31+$0x40]  }
0x1a6: {  	v10 =	vld [tilespmem:s31+$0x50]  }
0x1a7: {  	v4 =	vld [tilespmem:s31+$0x60]  }
0x1a8: {  	v19 =	vld [tilespmem:s31+$0xFFFFFF80]  }
0x1a9: {  	v30 =	vld [tilespmem:s19+$0xFFFFFF80]  }
0x1aa: {  	v31 =	vld [tilespmem:s19+$0xFFFFFF90]  }
0x1ab: {  	v62 =	vld [tilespmem:s19+$0xFFFFFFA0]  }
0x1ac: {  	v63 =	vld [tilespmem:s19+$0xFFFFFFB0]  }
0x1ad: {  	v56 =	vld [tilespmem:s19+$0xFFFFFFC0]  }
0x1ae: {  	v57 =	vld [tilespmem:s19+$0xFFFFFFD0]  }
0x1af: {  	v58 =	vld [tilespmem:s19+$0xFFFFFFE0]  }
0x1b0: {  	v59 =	vld [tilespmem:s19+$0xFFFFFFF0]  }
0x1b1: {  	v60 =	vld [tilespmem:s19+$0x0]  }
0x1b2: {  	v61 =	vld [tilespmem:s19+$0x10]  }
0x1b3: {  	v48 =	vld [tilespmem:s19+$0x20]  }
0x1b4: {  	v49 =	vld [tilespmem:s19+$0x30]  }
0x1b5: {  	v50 =	vld [tilespmem:s19+$0x40]  }
0x1b6: {  	v51 =	vld [tilespmem:s19+$0x60]  }
0x1b7: {  	v52 =	vld [tilespmem:s20+$0xFFFFFF90]  }
0x1b8: {  	v35 =	vld [tilespmem:s20+$0xFFFFFFD0]  }
0x1b9: {  	v34 =	vld [tilespmem:s20+$0xFFFFFFE0]  }
0x1ba: {  	v33 =	vld [tilespmem:s20+$0xFFFFFFF0]  }
0x1bb: {  	v32 =	vld [tilespmem:s20+$0x0]  }
0x1bc: {  	v16 =	vld.idx.msk [tilespmem:v12+s12+$0x0], $0xffff  }
0x1bd: {  	v20 =	vld.idx.msk [tilespmem:v13+s12+$0x0], $0xffff  }
0x1be: {  	v21 =	vld.idx.msk [tilespmem:v14+s12+$0x0], $0xffff  }
0x1bf: {  	v22 =	vld.idx.msk [tilespmem:v15+s12+$0x0], $0xffff  }
0x1c0: {  	v23 =	vld.idx.msk [tilespmem:v27+s12+$0x0], $0xffff  }
0x1c1: {  	v24 =	vld.idx.msk [tilespmem:v11+s12+$0x0], $0xffff  }
0x1c2: {  	v25 =	vld.idx.msk [tilespmem:v19+s12+$0x0], $0xffff  }
0x1c3: {  	v26 =	vld.idx.msk [tilespmem:v8+s12+$0x0], $0xffff  }
0x1c4: {  	v28 =	vld.idx.msk [tilespmem:v6+s12+$0x0], $0xffff  }
0x1c5: {  	v29 =	vld.idx.msk [tilespmem:v9+s12+$0x0], $0xffff  }
0x1c6: {  	v36 =	vld.idx.msk [tilespmem:v7+s12+$0x0], $0xffff;
	v16 =	vadd.s32 v17, v16  }
0x1c7: {  	v25 =	vadd.s32 v30, v25;
	v30 =	vld [tilespmem:s20+$0xFFFFFF80]  }
0x1c8: {  	v37 =	vld.idx.msk [tilespmem:v5+s12+$0x0], $0xffff;
	v20 =	vadd.s32 v31, v20  }
0x1c9: {  	v38 =	vld.idx.msk [tilespmem:v2+s12+$0x0], $0xffff  }
0x1ca: {  	v39 =	vld.idx.msk [tilespmem:v3+s12+$0x0], $0xffff  }
0x1cb: {  	v31 =	vld [tilespmem:s20+$0xFFFFFFA0];
	v62 =	vadd.s32 v62, v21;
	[tilespmem:v16+s14+$0x0] =	vst.idx.msk $0xffff, v18  }
0x1cc: {  	v40 =	vld.idx.msk [tilespmem:v10+s12+$0x0], $0xffff;
	[tilespmem:v25+s14+$0x0] =	vst.idx.msk $0xffff, v30  }
0x1cd: {  	v17 =	vld [tilespmem:s19+$0x50];
	[tilespmem:v20+s14+$0x0] =	vst.idx.msk $0xffff, v52  }
0x1ce: {  	v18 =	vld [tilespmem:s20+$0xFFFFFFB0];
	[tilespmem:v25+s15+$0x0] =	vst.idx.msk $0xffff, v19;
	v19 =	vadd.s32 v63, v22  }
0x1cf: {  	[tilespmem:v16+s15+$0x0] =	vst.idx.msk $0xffff, v12;
	v16 =	vld [tilespmem:s20+$0xFFFFFFC0];
	v63 =	vadd.s32 v56, v23  }
0x1d0: {  	v41 =	vld.idx.msk [tilespmem:v4+s12+$0x0], $0xffff;
	[tilespmem:v62+s14+$0x0] =	vst.idx.msk $0xffff, v31  }
0x1d1: {  	v31 =	vld [tilespmem:s20+$0x10];
	[tilespmem:v20+s15+$0x0] =	vst.idx.msk $0xffff, v13  }
0x1d2: {  	v21 =	vadd.s32 v61, v36;
	v30 =	vld [tilespmem:s20+$0x20];
	v25 =	vadd.s32 v57, v24;
	[tilespmem:v62+s15+$0x0] =	vst.idx.msk $0xffff, v14  }
0x1d3: {  	v17 =	vadd.s32 v17, v40;
	v22 =	vadd.s32 v60, v29;
	v29 =	vld [tilespmem:s20+$0x30];
	[tilespmem:v19+s14+$0x0] =	vst.idx.msk $0xffff, v18  }
0x1d4: {  	v24 =	vadd.s32 v58, v26;
	v23 =	vadd.s32 v59, v28;
	v28 =	vld [tilespmem:s20+$0x40];
	[tilespmem:v63+s14+$0x0] =	vst.idx.msk $0xffff, v16  }
0x1d5: {  	v20 =	vadd.s32 v48, v37;
	v26 =	vld [tilespmem:s20+$0x50];
	v18 =	vadd.s32 v50, v39;
	[tilespmem:v19+s15+$0x0] =	vst.idx.msk $0xffff, v15  }
0x1d6: {  	s22 =	simm.s32 $0x180;
	s21 =	simm.s32 $0x0;
	v16 =	vadd.s32 v51, v41;
	v19 =	vadd.s32 v49, v38;
	[tilespmem:v63+s15+$0x0] =	vst.idx.msk $0xffff, v27;
	v27 =	vld [tilespmem:s20+$0x60]  }
.LBB2_11:
0x1d7: {  	v36 =	vld [tilespmem:s22+$0x70];
	[tilespmem:v25+s14+$0x0] =	vst.idx.msk $0xffff, v35  }
0x1d8: {  	s21 =	sadd.s32 $0x100, s21;
	v15 =	vld [tilespmem:s22+$0xFFFFFF90];
	[tilespmem:v25+s15+$0x0] =	vst.idx.msk $0xffff, v11  }
0x1d9: {  	p0 =	slt.u32 s21, $0xF00;
	v14 =	vld [tilespmem:s22+$0xFFFFFFA0];
	[tilespmem:v24+s14+$0x0] =	vst.idx.msk $0xffff, v34  }
0x1da: {  	v13 =	vld [tilespmem:s22+$0xFFFFFFB0];
	[tilespmem:v24+s15+$0x0] =	vst.idx.msk $0xffff, v8  }
0x1db: {  	v12 =	vld [tilespmem:s22+$0xFFFFFFC0];
	[tilespmem:v23+s14+$0x0] =	vst.idx.msk $0xffff, v33  }
0x1dc: {  	v11 =	vld [tilespmem:s22+$0xFFFFFFD0];
	[tilespmem:v23+s15+$0x0] =	vst.idx.msk $0xffff, v6  }
0x1dd: {  	v8 =	vld [tilespmem:s22+$0xFFFFFFE0];
	[tilespmem:v22+s14+$0x0] =	vst.idx.msk $0xffff, v32  }
0x1de: {  	v6 =	vld [tilespmem:s22+$0xFFFFFFF0];
	[tilespmem:v22+s15+$0x0] =	vst.idx.msk $0xffff, v9  }
0x1df: {  	s19 =	sadd.s32 $0x100, s19;
	v22 =	vld.idx.msk [tilespmem:v36+s12+$0x0], $0xffff;
	[tilespmem:v21+s14+$0x0] =	vst.idx.msk $0xffff, v31  }
0x1e0: {  	v23 =	vld [tilespmem:s19+$0x70];
	[tilespmem:v21+s15+$0x0] =	vst.idx.msk $0xffff, v7  }
0x1e1: {  	v9 =	vld [tilespmem:s22+$0x0];
	[tilespmem:v20+s14+$0x0] =	vst.idx.msk $0xffff, v30  }
0x1e2: {  	v7 =	vld [tilespmem:s22+$0x10];
	[tilespmem:v20+s15+$0x0] =	vst.idx.msk $0xffff, v5  }
0x1e3: {  	v5 =	vld [tilespmem:s22+$0x20];
	[tilespmem:v19+s14+$0x0] =	vst.idx.msk $0xffff, v29  }
0x1e4: {  	s20 =	sadd.s32 $0x100, s20;
	[tilespmem:v19+s15+$0x0] =	vst.idx.msk $0xffff, v2;
	v2 =	vld [tilespmem:s22+$0x30]  }
0x1e5: {  	v19 =	vld [tilespmem:s20+$0x70];
	v20 =	vadd.s32 v23, v22;
	[tilespmem:v18+s14+$0x0] =	vst.idx.msk $0xffff, v28  }
0x1e6: {  	[tilespmem:v18+s15+$0x0] =	vst.idx.msk $0xffff, v3;
	v3 =	vld [tilespmem:s22+$0x40]  }
0x1e7: {  	v18 =	vld [tilespmem:s22+$0x50];
	[tilespmem:v17+s14+$0x0] =	vst.idx.msk $0xffff, v26  }
0x1e8: {  	v21 =	vld [tilespmem:s22+$0x60];
	[tilespmem:v17+s15+$0x0] =	vst.idx.msk $0xffff, v10  }
0x1e9: {  	v26 =	vld [tilespmem:s22+$0xFFFFFF80];
	[tilespmem:v16+s14+$0x0] =	vst.idx.msk $0xffff, v27  }
0x1ea: {  	v17 =	vld.idx.msk [tilespmem:v15+s12+$0x0], $0xffff;
	[tilespmem:v20+s14+$0x0] =	vst.idx.msk $0xffff, v19  }
0x1eb: {  	v19 =	vld.idx.msk [tilespmem:v14+s12+$0x0], $0xffff;
	[tilespmem:v20+s15+$0x0] =	vst.idx.msk $0xffff, v36  }
0x1ec: {  	v20 =	vld.idx.msk [tilespmem:v13+s12+$0x0], $0xffff;
	[tilespmem:v16+s15+$0x0] =	vst.idx.msk $0xffff, v4;
	v10 =	vmov v18  }
0x1ed: {  	v16 =	vld.idx.msk [tilespmem:v12+s12+$0x0], $0xffff;
	v4 =	vmov v21  }
0x1ee: {  	v18 =	vld.idx.msk [tilespmem:v11+s12+$0x0], $0xffff  }
0x1ef: {  	v21 =	vld.idx.msk [tilespmem:v8+s12+$0x0], $0xffff  }
0x1f0: {  	v22 =	vld.idx.msk [tilespmem:v6+s12+$0x0], $0xffff  }
0x1f1: {  	v23 =	vld.idx.msk [tilespmem:v26+s12+$0x0], $0xffff  }
0x1f2: {  	v27 =	vld.idx.msk [tilespmem:v9+s12+$0x0], $0xffff  }
0x1f3: {  	v28 =	vld.idx.msk [tilespmem:v7+s12+$0x0], $0xffff  }
0x1f4: {  	v29 =	vld.idx.msk [tilespmem:v5+s12+$0x0], $0xffff  }
0x1f5: {  	v30 =	vld.idx.msk [tilespmem:v2+s12+$0x0], $0xffff  }
0x1f6: {  	v31 =	vld.idx.msk [tilespmem:v3+s12+$0x0], $0xffff  }
0x1f7: {  	v32 =	vld.idx.msk [tilespmem:v10+s12+$0x0], $0xffff  }
0x1f8: {  	v33 =	vld.idx.msk [tilespmem:v4+s12+$0x0], $0xffff  }
0x1f9: {  	v24 =	vld [tilespmem:s19+$0xFFFFFF80]  }
0x1fa: {  	v25 =	vld [tilespmem:s19+$0xFFFFFF90]  }
0x1fb: {  	v34 =	vld [tilespmem:s19+$0xFFFFFFA0]  }
0x1fc: {  	v35 =	vld [tilespmem:s19+$0xFFFFFFB0]  }
0x1fd: {  	v36 =	vld [tilespmem:s19+$0xFFFFFFC0]  }
0x1fe: {  	v37 =	vadd.s32 v24, v23;
	v23 =	vld [tilespmem:s19+$0xFFFFFFD0]  }
0x1ff: {  	v38 =	vadd.s32 v25, v17;
	v17 =	vld [tilespmem:s19+$0xFFFFFFE0]  }
0x200: {  	v39 =	vadd.s32 v34, v19;
	v19 =	vld [tilespmem:s19+$0xFFFFFFF0]  }
0x201: {  	v40 =	vadd.s32 v35, v20;
	v20 =	vld [tilespmem:s19+$0x0]  }
0x202: {  	v36 =	vadd.s32 v36, v16;
	v16 =	vld [tilespmem:s19+$0x10]  }
0x203: {  	v25 =	vadd.s32 v23, v18;
	v18 =	vld [tilespmem:s19+$0x20]  }
0x204: {  	v24 =	vadd.s32 v17, v21;
	v17 =	vld [tilespmem:s19+$0x30]  }
0x205: {  	v23 =	vadd.s32 v19, v22;
	v34 =	vld [tilespmem:s19+$0x40]  }
0x206: {  	v22 =	vadd.s32 v20, v27;
	v27 =	vld [tilespmem:s19+$0x50]  }
0x207: {  	v21 =	vadd.s32 v16, v28;
	v16 =	vld [tilespmem:s19+$0x60]  }
0x208: {  	v28 =	vld [tilespmem:s20+$0xFFFFFF80];
	v20 =	vadd.s32 v18, v29  }
0x209: {  	v29 =	vld [tilespmem:s20+$0xFFFFFF90];
	v19 =	vadd.s32 v17, v30  }
0x20a: {  	v30 =	vld [tilespmem:s20+$0xFFFFFFA0];
	v18 =	vadd.s32 v34, v31  }
0x20b: {  	v41 =	vld [tilespmem:s20+$0xFFFFFFB0];
	v17 =	vadd.s32 v27, v32  }
0x20c: {  	v27 =	vld [tilespmem:s20+$0xFFFFFFC0];
	v16 =	vadd.s32 v16, v33  }
0x20d: {  	[tilespmem:v37+s14+$0x0] =	vst.idx.msk $0xffff, v28;
	v35 =	vld [tilespmem:s20+$0xFFFFFFD0]  }
0x20e: {  	[tilespmem:v37+s15+$0x0] =	vst.idx.msk $0xffff, v26;
	v34 =	vld [tilespmem:s20+$0xFFFFFFE0]  }
0x20f: {  	[tilespmem:v38+s14+$0x0] =	vst.idx.msk $0xffff, v29;
	v33 =	vld [tilespmem:s20+$0xFFFFFFF0]  }
0x210: {  	[tilespmem:v38+s15+$0x0] =	vst.idx.msk $0xffff, v15;
	v32 =	vld [tilespmem:s20+$0x0]  }
0x211: {  	[tilespmem:v39+s14+$0x0] =	vst.idx.msk $0xffff, v30;
	v31 =	vld [tilespmem:s20+$0x10]  }
.Ltmp5:
0x212: {  	[tilespmem:v39+s15+$0x0] =	vst.idx.msk $0xffff, v14;
	v30 =	vld [tilespmem:s20+$0x20];
	(pc) =	sbr.rel @p0 .LBB2_11-.Ltmp5, $4  }
0x213: {  	[tilespmem:v40+s14+$0x0] =	vst.idx.msk $0xffff, v41;
	v29 =	vld [tilespmem:s20+$0x30]  }
0x214: {  	[tilespmem:v40+s15+$0x0] =	vst.idx.msk $0xffff, v13;
	v28 =	vld [tilespmem:s20+$0x40]  }
0x215: {  	[tilespmem:v36+s14+$0x0] =	vst.idx.msk $0xffff, v27;
	v26 =	vld [tilespmem:s20+$0x50]  }
0x216: {  	s22 =	sadd.s32 $0x100, s22;
	[tilespmem:v36+s15+$0x0] =	vst.idx.msk $0xffff, v12;
	v27 =	vld [tilespmem:s20+$0x60]  }
0x217: {  	_ =	sdelay $0x3  }
0x218: {  	[tilespmem:v25+s14+$0x0] =	vst.idx.msk $0xffff, v35  }
0x219: {  	[tilespmem:v24+s14+$0x0] =	vst.idx.msk $0xffff, v34  }
0x21a: {  	[tilespmem:v23+s14+$0x0] =	vst.idx.msk $0xffff, v33  }
0x21b: {  	[tilespmem:v22+s14+$0x0] =	vst.idx.msk $0xffff, v32  }
0x21c: {  	[tilespmem:v21+s14+$0x0] =	vst.idx.msk $0xffff, v31  }
0x21d: {  	[tilespmem:v20+s14+$0x0] =	vst.idx.msk $0xffff, v30  }
0x21e: {  	[tilespmem:v25+s15+$0x0] =	vst.idx.msk $0xffff, v11  }
0x21f: {  	[tilespmem:v24+s15+$0x0] =	vst.idx.msk $0xffff, v8  }
0x220: {  	[tilespmem:v23+s15+$0x0] =	vst.idx.msk $0xffff, v6  }
0x221: {  	[tilespmem:v22+s15+$0x0] =	vst.idx.msk $0xffff, v9  }
0x222: {  	[tilespmem:v21+s15+$0x0] =	vst.idx.msk $0xffff, v7  }
0x223: {  	[tilespmem:v20+s15+$0x0] =	vst.idx.msk $0xffff, v5  }
0x224: {  	[tilespmem:v19+s14+$0x0] =	vst.idx.msk $0xffff, v29  }
0x225: {  	[tilespmem:v19+s15+$0x0] =	vst.idx.msk $0xffff, v2  }
0x226: {  	[tilespmem:v18+s14+$0x0] =	vst.idx.msk $0xffff, v28  }
0x227: {  	[tilespmem:v18+s15+$0x0] =	vst.idx.msk $0xffff, v3  }
0x228: {  	[tilespmem:v17+s14+$0x0] =	vst.idx.msk $0xffff, v26  }
0x229: {  	[tilespmem:v17+s15+$0x0] =	vst.idx.msk $0xffff, v10  }
0x22a: {  	[tilespmem:v16+s14+$0x0] =	vst.idx.msk $0xffff, v27  }
0x22b: {  	[tilespmem:v16+s15+$0x0] =	vst.idx.msk $0xffff, v4  }
0x22c: {  	[hbm4b:s3+s8] =	stream.strided.scatter [tilespmem:s14], [sflag:$0x3], $0x1000, s9, s8, $0x38;
	[tilespmem:$0x7000] =	vst v63  }
0x22d: {  	s18 =	sadd.s32 $0x1, s18  }
0x22e: {  	[hbm4b:s4+s8] =	stream.strided.scatter [tilespmem:s15], [sflag:$0x4], $0x1000, s9, s8, $0x38;
	[tilespmem:$0x7000] =	vst v63  }
0x22f: {  	p0 =	sne.s32 s18, s7;
	_ =	swait.ge [sflag:s16], $0x1000  }
.Ltmp6:
0x230: {  	[sflag:s16] =	ssyncset.done $0x0;
	(pc) =	sbr.rel @p0 .LBB2_2-.Ltmp6, $4  }
0x231: {  	[sflag:s16] =	ssyncadd.s32 $0xFFFFF000  }
0x232: {  	_ =	swait.ge [sflag:s17], $0x1000  }
0x233: {  	[sflag:s17] =	ssyncset.done $0x0  }
0x234: {  	[sflag:s17] =	ssyncadd.s32 $0xFFFFF000  }
.LBB2_13:
0x235: {  	_ =	sfence.sel $0x180000  }
0x236: {  	[bflag:$0x0] =	sbarrier.arrive $0xFFFF  }
0x237: {  	p0 =	sne.s32 s2, $0x0;
	_ =	strace $0x90000047  }
0x238: {  	s0 =	sadd.s32 @!p0 $0x100000, s0;
	[bflag:$0x2] =	sbarrier.arrive $0xFFFF  }
0x239: {  	[sflag:s0] =	ssyncadd.tile.s32 @!p0 $0x1;
	_ =	shalt  }
.Lfunc_end2:
_tile_overlayer_lowered:
.L_overlay_start_2:
0x23a: {  	(tag) =	ssettag $0x2  }
0x23b: {  	s0 =	rddreg [dreg:$0x0];
	s2 =	stileid.u32  }
0x23c: {  	s1 =	rddreg [dreg:$0x1];
	p0 =	sne.s32 s2, $0x0  }
0x23d: {  	s3 =	rddreg [dreg:$0x2];
	[bflag:$0x3] =	sbarrier.arrive $0xFFFF;
	s2 =	simm.s32 @!p0 $0x1C04  }
0x23e: {  	[timem:s3], [sflag:s2] =	dma.local @!p0 [hbm:s0], s1  }
0x23f: {  	s0 =	simm.s32 @!p0 $0x4  }
0x240: {  	_ =	swait.ge @!p0 [sflag:s0], s1  }
0x241: {  	s1 =	ssub.s32 @!p0 $0x0, s1;
	[sflag:s0] =	ssyncset.done @!p0 $0x0  }
0x242: {  	[sflag:s0] =	ssyncadd.s32 @!p0 s1  }
0x243: {  	[bflag:$0x3] =	sbarrier.arrive $0xFFFF  }
0x244: {  	_ =	shalt  }

</sc_bundles>
